<compile_context>
chip_gen: v7x
topology: tpu7x:2x2x1
jax: 0.10.2.dev20260603
libtpu: 0.0.44.dev20260713+nightly
codegen_flags: <defaults>
</compile_context>

<pallas_src>
import functools

import jax
import jax.numpy as jnp
from jax import lax
from jax.experimental import pallas as pl
from jax.experimental.pallas import tpu as pltpu
from jax.experimental.pallas import tpu_sc as plsc

B, S, D = 1, 2048, 1024
E, TOPK, NZ, FF, ZH = 16, 2, 8, 512, 256
T = B * S
TM = 256
R = T * TOPK + E * TM

NC, NS = 2, 16
NW = NC * NS
CHUNK = T // NW


def _routing_body(x_ref, gu_ref, gw_ref, zw1_ref, zb1_ref, zw2_ref, zb2_ref,
                  u_ref, w0_ref, w1_ref, row0_ref, row1_ref, toffs_ref):
    x = x_ref[...]
    rl = lax.dot_general(x, gw_ref[...], (((1,), (1,)), ((), ())),
                         preferred_element_type=jnp.float32)
    h1 = lax.dot_general(x, zw1_ref[...], (((1,), (1,)), ((), ())),
                         preferred_element_type=jnp.float32)
    h1 = h1 + zb1_ref[...]
    h1 = h1 * jax.nn.sigmoid(h1)
    zl = lax.dot_general(h1, zw2_ref[...], (((1,), (1,)), ((), ())),
                         preferred_element_type=jnp.float32)
    zl = zl + zb2_ref[...]
    g = -jnp.log(-jnp.log(gu_ref[...]))
    s = zl + g
    iota_nz = lax.broadcasted_iota(jnp.int32, (T, NZ), 1)
    smax = jnp.max(s, axis=1, keepdims=True)
    zidx = jnp.min(jnp.where(s >= smax, iota_nz, NZ), axis=1, keepdims=True)
    oh = jnp.where(iota_nz == zidx, 1.0, 0.0).astype(jnp.float32)
    bias = jnp.dot(oh, u_ref[...], preferred_element_type=jnp.float32)
    logits = rl + bias
    lmax = jnp.max(logits, axis=1, keepdims=True)
    ex = jnp.exp(logits - lmax)
    rw = ex / jnp.sum(ex, axis=1, keepdims=True)
    iota_e = lax.broadcasted_iota(jnp.int32, (T, E), 1)
    w0 = jnp.max(rw, axis=1, keepdims=True)
    e0 = jnp.min(jnp.where(rw >= w0, iota_e, E), axis=1, keepdims=True)
    rw2 = jnp.where(iota_e == e0, -1.0, rw)
    w1 = jnp.max(rw2, axis=1, keepdims=True)
    e1 = jnp.min(jnp.where(rw2 >= w1, iota_e, E), axis=1, keepdims=True)
    w0_ref[...] = w0
    w1_ref[...] = w1

    m0 = (iota_e == e0).astype(jnp.float32)
    m1 = (iota_e == e1).astype(jnp.float32)
    msum = m0 + m1
    ir = lax.broadcasted_iota(jnp.int32, (T, T), 0)
    ic = lax.broadcasted_iota(jnp.int32, (T, T), 1)
    tri = (ic < ir).astype(jnp.bfloat16)
    excl = jnp.dot(tri, msum.astype(jnp.bfloat16),
                   preferred_element_type=jnp.float32)
    excl_i = excl.astype(jnp.int32)
    cnt = jnp.sum(msum, axis=0, keepdims=True).astype(jnp.int32)
    padded = ((cnt + (TM - 1)) // TM) * TM
    ier = lax.broadcasted_iota(jnp.int32, (E, E), 0)
    iec = lax.broadcasted_iota(jnp.int32, (E, E), 1)
    pad_col = jnp.broadcast_to(padded.reshape(E, 1), (E, E))
    offs = jnp.sum(jnp.where(ier < iec, pad_col, 0), axis=0,
                   keepdims=True)
    row0 = jnp.sum(jnp.where(iota_e == e0, offs + excl_i, 0), axis=1,
                   keepdims=True)
    row1 = jnp.sum(jnp.where(iota_e == e1, offs + excl_i, 0), axis=1,
                   keepdims=True)
    row0_ref[...] = row0
    row1_ref[...] = row1

    ir17 = lax.broadcasted_iota(jnp.int32, (E + 1, E), 0)
    ic17 = lax.broadcasted_iota(jnp.int32, (E + 1, E), 1)
    pad17 = jnp.broadcast_to(padded, (E + 1, E))
    toffs_ref[...] = (jnp.sum(jnp.where(ic17 < ir17, pad17, 0), axis=1,
                              keepdims=True) // TM)


def _routing(x, gumbel_u, gate_weight, zW1, zb1, zW2, zb2, U):
    return pl.pallas_call(
        _routing_body,
        out_shape=(
            jax.ShapeDtypeStruct((T, 1), jnp.float32),
            jax.ShapeDtypeStruct((T, 1), jnp.float32),
            jax.ShapeDtypeStruct((T, 1), jnp.int32),
            jax.ShapeDtypeStruct((T, 1), jnp.int32),
            jax.ShapeDtypeStruct((E + 1, 1), jnp.int32),
        ),
    )(x, gumbel_u, gate_weight, zW1, zb1.reshape(1, ZH), zW2,
      zb2.reshape(1, NZ), U)


def _make_sc_scatter():
    mesh = plsc.VectorSubcoreMesh(core_axis_name="c", subcore_axis_name="s")

    @functools.partial(
        pl.kernel, mesh=mesh,
        out_type=jax.ShapeDtypeStruct((R, D), jnp.float32),
        scratch_types=[
            pltpu.VMEM((CHUNK,), jnp.int32),
            pltpu.VMEM((CHUNK,), jnp.int32),
            pltpu.VMEM((CHUNK, D), jnp.float32),
            pltpu.SemaphoreType.DMA,
            pltpu.SemaphoreType.DMA,
        ],
    )
    def sc_scatter(x_hbm, r0_hbm, r1_hbm, xs_hbm, idx0_v, idx1_v, rows_v,
                   sem0, sem1):
        wid = lax.axis_index("s") * NC + lax.axis_index("c")
        base = wid * CHUNK
        pltpu.sync_copy(r0_hbm.at[pl.ds(base, CHUNK)], idx0_v)
        pltpu.sync_copy(r1_hbm.at[pl.ds(base, CHUNK)], idx1_v)
        pltpu.sync_copy(x_hbm.at[pl.ds(base, CHUNK)], rows_v)
        d0 = pltpu.async_copy(rows_v, xs_hbm.at[idx0_v], sem0)
        d1 = pltpu.async_copy(rows_v, xs_hbm.at[idx1_v], sem1)
        d0.wait()
        d1.wait()

    return sc_scatter


@functools.cache
def _get_sc_scatter():
    return _make_sc_scatter()


def _sc_scatter(x, r0, r1):
    return _get_sc_scatter()(x, r0, r1)


def _make_sc_gather():
    mesh = plsc.VectorSubcoreMesh(core_axis_name="c", subcore_axis_name="s")

    @functools.partial(
        pl.kernel, mesh=mesh,
        out_type=(jax.ShapeDtypeStruct((T, D), jnp.float32),
                  jax.ShapeDtypeStruct((T, D), jnp.float32)),
        scratch_types=[
            pltpu.VMEM((CHUNK,), jnp.int32),
            pltpu.VMEM((CHUNK, D), jnp.float32),
            pltpu.SemaphoreType.DMA,
        ],
    )
    def sc_gather(ys_hbm, r0_hbm, r1_hbm, y0_hbm, y1_hbm, idx_v, rows_v, sem):
        wid = lax.axis_index("s") * NC + lax.axis_index("c")
        base = wid * CHUNK
        pltpu.sync_copy(r0_hbm.at[pl.ds(base, CHUNK)], idx_v)
        pltpu.async_copy(ys_hbm.at[idx_v], rows_v, sem).wait()
        pltpu.sync_copy(rows_v, y0_hbm.at[pl.ds(base, CHUNK)])
        pltpu.sync_copy(r1_hbm.at[pl.ds(base, CHUNK)], idx_v)
        pltpu.async_copy(ys_hbm.at[idx_v], rows_v, sem).wait()
        pltpu.sync_copy(rows_v, y1_hbm.at[pl.ds(base, CHUNK)])

    return sc_gather


@functools.cache
def _get_sc_gather():
    return _make_sc_gather()


def _sc_gather(ys, r0, r1):
    return _get_sc_gather()(ys, r0, r1)


def _experts_body(toffs_ref, xs_hbm, wg_ref, wu_ref, wd_ref, ys_hbm,
                  xst, yst, wgub, wdb, sin, sout):
    e = pl.program_id(0)
    wgub[:FF] = wg_ref[0].astype(jnp.bfloat16)
    wgub[FF:] = wu_ref[0].astype(jnp.bfloat16)
    wdb[...] = wd_ref[0].astype(jnp.bfloat16)

    lo = toffs_ref[e]
    hi = toffs_ref[e + 1]
    n = hi - lo

    def start_in(t, slot):
        pltpu.make_async_copy(xs_hbm.at[pl.ds(t * TM, TM)], xst.at[slot],
                              sin.at[slot]).start()

    @pl.when(n > 0)
    def _():
        start_in(lo, lax.rem(lo, 2))

    def tile(t, carry):
        slot = lax.rem(t, 2)
        nslot = lax.rem(t + 1, 2)

        @pl.when(t + 1 < hi)
        def _():
            start_in(t + 1, nslot)

        pltpu.make_async_copy(xs_hbm.at[pl.ds(t * TM, TM)], xst.at[slot],
                              sin.at[slot]).wait()
        xb = xst[slot].astype(jnp.bfloat16)
        gu = lax.dot_general(xb, wgub[...], (((1,), (1,)), ((), ())),
                             preferred_element_type=jnp.float32)
        gp = gu[:, :FF]
        up = gu[:, FF:]
        hm = (gp * jax.nn.sigmoid(gp) * up).astype(jnp.bfloat16)
        y = lax.dot_general(hm, wdb[...], (((1,), (1,)), ((), ())),
                            preferred_element_type=jnp.float32)

        @pl.when(t - 2 >= lo)
        def _():
            pltpu.make_async_copy(yst.at[slot],
                                  ys_hbm.at[pl.ds((t - 2) * TM, TM)],
                                  sout.at[slot]).wait()

        yst[slot] = y
        pltpu.make_async_copy(yst.at[slot], ys_hbm.at[pl.ds(t * TM, TM)],
                              sout.at[slot]).start()
        return carry

    lax.fori_loop(lo, hi, tile, 0)

    @pl.when(n > 0)
    def _():
        pltpu.make_async_copy(yst.at[lax.rem(hi - 1, 2)],
                              ys_hbm.at[pl.ds((hi - 1) * TM, TM)],
                              sout.at[lax.rem(hi - 1, 2)]).wait()

    @pl.when(n > 1)
    def _():
        pltpu.make_async_copy(yst.at[lax.rem(hi - 2, 2)],
                              ys_hbm.at[pl.ds((hi - 2) * TM, TM)],
                              sout.at[lax.rem(hi - 2, 2)]).wait()


def _experts(xs, toffs, Wg, Wu, Wd):
    grid_spec = pltpu.PrefetchScalarGridSpec(
        num_scalar_prefetch=1,
        grid=(E,),
        in_specs=[
            pl.BlockSpec(memory_space=pltpu.MemorySpace.HBM),
            pl.BlockSpec((1, FF, D), lambda e, toffs: (e, 0, 0)),
            pl.BlockSpec((1, FF, D), lambda e, toffs: (e, 0, 0)),
            pl.BlockSpec((1, D, FF), lambda e, toffs: (e, 0, 0)),
        ],
        out_specs=pl.BlockSpec(memory_space=pltpu.MemorySpace.HBM),
        scratch_shapes=[
            pltpu.VMEM((2, TM, D), jnp.float32),
            pltpu.VMEM((2, TM, D), jnp.float32),
            pltpu.VMEM((2 * FF, D), jnp.bfloat16),
            pltpu.VMEM((D, FF), jnp.bfloat16),
            pltpu.SemaphoreType.DMA((2,)),
            pltpu.SemaphoreType.DMA((2,)),
        ],
    )
    return pl.pallas_call(
        _experts_body,
        grid_spec=grid_spec,
        out_shape=jax.ShapeDtypeStruct((R, D), jnp.float32),
    )(toffs, xs, Wg, Wu, Wd)


def _combine_body(y0_ref, y1_ref, w0_ref, w1_ref, out_ref):
    out_ref[...] = w0_ref[...] * y0_ref[...] + w1_ref[...] * y1_ref[...]


def _combine(y0, y1, w0, w1):
    nb = 8
    tb = T // nb
    return pl.pallas_call(
        _combine_body,
        grid=(nb,),
        in_specs=[
            pl.BlockSpec((tb, D), lambda i: (i, 0)),
            pl.BlockSpec((tb, D), lambda i: (i, 0)),
            pl.BlockSpec((tb, 1), lambda i: (i, 0)),
            pl.BlockSpec((tb, 1), lambda i: (i, 0)),
        ],
        out_specs=pl.BlockSpec((tb, D), lambda i: (i, 0)),
        out_shape=jax.ShapeDtypeStruct((T, D), jnp.float32),
    )(y0, y1, w0, w1)


def kernel(hidden_states, gumbel_u, gate_weight, zW1, zb1, zW2, zb2, U, Wg,
           Wu, Wd):
    x = hidden_states.reshape(T, D)
    w0, w1, row0, row1, toffs = _routing(x, gumbel_u, gate_weight, zW1, zb1,
                                         zW2, zb2, U)
    r0 = row0.reshape(T)
    r1 = row1.reshape(T)
    xs = _sc_scatter(x, r0, r1)
    ys = _experts(xs, toffs.reshape(E + 1), Wg, Wu, Wd)
    y0, y1 = _sc_gather(ys, r0, r1)
    out = _combine(y0, y1, w0, w1)
    return out.reshape(B, S, D)

# --- scband reference (transcript-rebuilt; emitter-appended) ---
"""Pipeline reference for scband-zaugmented-olmoe-sparse-moe-block-54597624267124 (READ-ONLY COPY).

The authoritative reference and input builder live on the scoring server;
editing this copy changes nothing except your own understanding.
"""

import jax, jax.numpy as jnp
import numpy as np

B, S, D = 1, 2048, 1024
E, TOPK, NZ, FF, ZH = 16, 2, 8, 512, 256
TAU = 1.0


def setup_inputs(seed: int = 0) -> dict:
    key = jax.random.key(seed)
    ks = jax.random.split(key, 12)
    inp = {}
    inp['hidden_states'] = jax.random.normal(ks[0], (B, S, D), dtype=jnp.float32)
    # internal gumbel randomness, materialized for determinism
    inp['gumbel_u'] = jax.random.uniform(ks[1], (B * S, NZ), dtype=jnp.float32, minval=1e-6, maxval=1.0 - 1e-6)
    # router gate weight (OLMoE gate: Linear(d_model -> E, bias=False))
    inp['gate_weight'] = (jax.random.normal(ks[2], (E, D), dtype=jnp.float32) * 0.02)
    # ZRouterBias predictor: Linear(D->ZH), SiLU, Linear(ZH->NZ); U: [NZ, E]
    inp['zW1'] = jax.random.normal(ks[3], (ZH, D), dtype=jnp.float32) * 0.02
    inp['zb1'] = jnp.zeros((ZH,), dtype=jnp.float32)
    inp['zW2'] = jax.random.normal(ks[4], (NZ, ZH), dtype=jnp.float32) * 0.02
    inp['zb2'] = jnp.zeros((NZ,), dtype=jnp.float32)
    inp['U'] = jax.random.normal(ks[5], (NZ, E), dtype=jnp.float32) * 0.02
    # expert SwiGLU MLPs (gate/up: [E, FF, D], down: [E, D, FF])
    inp['Wg'] = jax.random.normal(ks[6], (E, FF, D), dtype=jnp.float32) * 0.02
    inp['Wu'] = jax.random.normal(ks[7], (E, FF, D), dtype=jnp.float32) * 0.02
    inp['Wd'] = jax.random.normal(ks[8], (E, D, FF), dtype=jnp.float32) * 0.02
    return inp


def reference(hidden_states, gumbel_u, gate_weight, zW1, zb1, zW2, zb2, U, Wg, Wu, Wd):
    b, s, d = hidden_states.shape
    x = hidden_states.reshape(-1, d)
    T = x.shape[0]
    # base router logits
    router_logits = x @ gate_weight.T
    # z router bias
    h1 = jax.nn.silu(x @ zW1.T + zb1)
    z_logits = h1 @ zW2.T + zb2
    g = -jnp.log(-jnp.log(gumbel_u))
    y_soft = jax.nn.softmax((z_logits.astype(jnp.float32) + g) / TAU, axis=-1)
    idx = jnp.argmax(y_soft, axis=-1)
    y_hard = jax.nn.one_hot(idx, NZ, dtype=y_soft.dtype)
    z = (jax.lax.stop_gradient(y_hard - y_soft) + y_soft).astype(x.dtype)
    router_bias = z @ U
    logits = router_logits + router_bias.astype(router_logits.dtype)
    # routing: softmax -> topk (norm_topk_prob inferred False)
    rw = jax.nn.softmax(logits.astype(jnp.float32), axis=-1)
    top_w, top_e = jax.lax.top_k(rw, TOPK)
    top_w = top_w.astype(logits.dtype)
    # combine weights: scatter topk weights back to [T, E]
    combine = jnp.zeros((T, E), dtype=top_w.dtype).at[jnp.arange(T)[:, None], top_e].add(top_w)
    # expert computation (dense einsum over experts, masked by combine weights --
    # mathematically identical to the routed per-expert loop)
    gp = jnp.einsum('td,efd->tef', x, Wg)
    up = jnp.einsum('td,efd->tef', x, Wu)
    hm = jax.nn.silu(gp) * up
    ye = jnp.einsum('tef,edf->ted', hm, Wd)
    out = jnp.einsum('te,ted->td', combine, ye)
    return out.reshape(b, s, d)

if __name__ == "__main__":
    import jax
    _d = setup_inputs()
    print(jax.jit(kernel)(*tuple(_d.values())))

</pallas_src>

<mosaic_0001>
#map = affine_map<(d0, d1) -> (0, 0)>
#map1 = affine_map<(d0, d1) -> (0)>
module attributes {stable_mosaic.version = 14 : i64} {
  func.func @sc_gather(%arg0: i32, %arg1: i32, %arg2: memref<8192x1024xf32, #tpu.memory_space<hbm>>, %arg3: memref<2048xi32, #tpu.memory_space<hbm>>, %arg4: memref<2048xi32, #tpu.memory_space<hbm>>, %arg5: memref<2048x1024xf32, #tpu.memory_space<hbm>>, %arg6: memref<2048x1024xf32, #tpu.memory_space<hbm>>, %arg7: memref<64xi32, #tpu.memory_space<vmem>>, %arg8: memref<64x1024xf32, #tpu.memory_space<vmem>>, %arg9: memref<!tpu.dma_semaphore, #tpu.memory_space<semaphore_mem>>) attributes {dimension_semantics = [#tpu.dimension_semantics<core_parallel>, #tpu.dimension_semantics<subcore_parallel>], iteration_bounds = array<i64: 2, 16>, scalar_prefetch = 0 : i64, scratch_operands = 3 : i64, tpu.core_type = #tpu.core_type<sc_vector_subcore>, window_params = [{transform_indices = #map}, {transform_indices = #map1}, {transform_indices = #map1}, {transform_indices = #map}, {transform_indices = #map}]} {
    %mul3A = arith.constant 2 : i32
    %mul3A_0 = arith.muli %arg1, %mul3A : i32
    %add3A = arith.addi %mul3A_0, %arg0 : i32
    %mul3A_1 = arith.constant 64 : i32
    %mul3A_2 = arith.muli %add3A, %mul3A_1 : i32
    "tpu.region"() ({
      %run_scoped3A = tpu.sem_alloc : memref<!tpu.dma_semaphore, #tpu.memory_space<semaphore_mem>>
      %dma_start3A_13 = tpu.memref_slice %arg3[%mul3A_2] : memref<2048xi32, #tpu.memory_space<hbm>> -> memref<64xi32, #tpu.memory_space<hbm>>
      %dma_start3A_14 = tpu.memref_slice %arg3[%mul3A_2] : memref<2048xi32, #tpu.memory_space<hbm>> -> memref<64xi32, #tpu.memory_space<hbm>>
      tpu.enqueue_dma source(%dma_start3A_14 : memref<64xi32, #tpu.memory_space<hbm>>) target(%arg7 : memref<64xi32, #tpu.memory_space<vmem>>) target_semaphore(%run_scoped3A : memref<!tpu.dma_semaphore, #tpu.memory_space<semaphore_mem>>)
      %dma_wait3A_15 = tpu.memref_slice %arg3[%mul3A_2] : memref<2048xi32, #tpu.memory_space<hbm>> -> memref<64xi32, #tpu.memory_space<hbm>>
      %dma_wait3A_16 = tpu.memref_slice %arg3[%mul3A_2] : memref<2048xi32, #tpu.memory_space<hbm>> -> memref<64xi32, #tpu.memory_space<hbm>>
      tpu.wait_dma2 semaphore(%run_scoped3A : memref<!tpu.dma_semaphore, #tpu.memory_space<semaphore_mem>>) src(%dma_wait3A_16 : memref<64xi32, #tpu.memory_space<hbm>>) dst(%arg7 : memref<64xi32, #tpu.memory_space<vmem>>)
      tpu.yield
    }) : () -> ()
    %dma_start3A = arith.constant 0 : i32
    %dma_start3A_3 = arith.constant 0 : i32
    %dma_start3A_4 = tpu.memref_slice %arg2[%dma_start3A, %dma_start3A_3] : memref<8192x1024xf32, #tpu.memory_space<hbm>> -> memref<8192x1024xf32, #tpu.memory_space<hbm>>
    tpu.enqueue_indirect_dma source(%dma_start3A_4 : memref<8192x1024xf32, #tpu.memory_space<hbm>>) target(%arg8 : memref<64x1024xf32, #tpu.memory_space<vmem>>) offsets(%arg7 : memref<64xi32, #tpu.memory_space<vmem>>) semaphore(%arg9 : memref<!tpu.dma_semaphore, #tpu.memory_space<semaphore_mem>>)
    %dma_wait3A = arith.constant 0 : i32
    %dma_wait3A_5 = arith.constant 0 : i32
    %dma_wait3A_6 = tpu.memref_slice %arg2[%dma_wait3A, %dma_wait3A_5] : memref<8192x1024xf32, #tpu.memory_space<hbm>> -> memref<8192x1024xf32, #tpu.memory_space<hbm>>
    tpu.wait_indirect_dma semaphore(%arg9 : memref<!tpu.dma_semaphore, #tpu.memory_space<semaphore_mem>>) src(%dma_wait3A_6 : memref<8192x1024xf32, #tpu.memory_space<hbm>>) dst(%arg8 : memref<64x1024xf32, #tpu.memory_space<vmem>>)
    "tpu.region"() ({
      %run_scoped3A = tpu.sem_alloc : memref<!tpu.dma_semaphore, #tpu.memory_space<semaphore_mem>>
      %dma_start3A_13 = arith.constant 0 : i32
      %dma_start3A_14 = tpu.memref_slice %arg5[%mul3A_2, %dma_start3A_13] : memref<2048x1024xf32, #tpu.memory_space<hbm>> -> memref<64x1024xf32, #tpu.memory_space<hbm>>
      %dma_start3A_15 = arith.constant 0 : i32
      %dma_start3A_16 = tpu.memref_slice %arg5[%mul3A_2, %dma_start3A_15] : memref<2048x1024xf32, #tpu.memory_space<hbm>> -> memref<64x1024xf32, #tpu.memory_space<hbm>>
      tpu.enqueue_dma source(%arg8 : memref<64x1024xf32, #tpu.memory_space<vmem>>) target(%dma_start3A_16 : memref<64x1024xf32, #tpu.memory_space<hbm>>) target_semaphore(%run_scoped3A : memref<!tpu.dma_semaphore, #tpu.memory_space<semaphore_mem>>)
      %dma_wait3A_17 = arith.constant 0 : i32
      %dma_wait3A_18 = tpu.memref_slice %arg5[%mul3A_2, %dma_wait3A_17] : memref<2048x1024xf32, #tpu.memory_space<hbm>> -> memref<64x1024xf32, #tpu.memory_space<hbm>>
      %dma_wait3A_19 = arith.constant 0 : i32
      %dma_wait3A_20 = tpu.memref_slice %arg5[%mul3A_2, %dma_wait3A_19] : memref<2048x1024xf32, #tpu.memory_space<hbm>> -> memref<64x1024xf32, #tpu.memory_space<hbm>>
      tpu.wait_dma2 semaphore(%run_scoped3A : memref<!tpu.dma_semaphore, #tpu.memory_space<semaphore_mem>>) src(%arg8 : memref<64x1024xf32, #tpu.memory_space<vmem>>) dst(%dma_wait3A_20 : memref<64x1024xf32, #tpu.memory_space<hbm>>)
      tpu.yield
    }) : () -> ()
    "tpu.region"() ({
      %run_scoped3A = tpu.sem_alloc : memref<!tpu.dma_semaphore, #tpu.memory_space<semaphore_mem>>
      %dma_start3A_13 = tpu.memref_slice %arg4[%mul3A_2] : memref<2048xi32, #tpu.memory_space<hbm>> -> memref<64xi32, #tpu.memory_space<hbm>>
      %dma_start3A_14 = tpu.memref_slice %arg4[%mul3A_2] : memref<2048xi32, #tpu.memory_space<hbm>> -> memref<64xi32, #tpu.memory_space<hbm>>
      tpu.enqueue_dma source(%dma_start3A_14 : memref<64xi32, #tpu.memory_space<hbm>>) target(%arg7 : memref<64xi32, #tpu.memory_space<vmem>>) target_semaphore(%run_scoped3A : memref<!tpu.dma_semaphore, #tpu.memory_space<semaphore_mem>>)
      %dma_wait3A_15 = tpu.memref_slice %arg4[%mul3A_2] : memref<2048xi32, #tpu.memory_space<hbm>> -> memref<64xi32, #tpu.memory_space<hbm>>
      %dma_wait3A_16 = tpu.memref_slice %arg4[%mul3A_2] : memref<2048xi32, #tpu.memory_space<hbm>> -> memref<64xi32, #tpu.memory_space<hbm>>
      tpu.wait_dma2 semaphore(%run_scoped3A : memref<!tpu.dma_semaphore, #tpu.memory_space<semaphore_mem>>) src(%dma_wait3A_16 : memref<64xi32, #tpu.memory_space<hbm>>) dst(%arg7 : memref<64xi32, #tpu.memory_space<vmem>>)
      tpu.yield
    }) : () -> ()
    %dma_start3A_7 = arith.constant 0 : i32
    %dma_start3A_8 = arith.constant 0 : i32
    %dma_start3A_9 = tpu.memref_slice %arg2[%dma_start3A_7, %dma_start3A_8] : memref<8192x1024xf32, #tpu.memory_space<hbm>> -> memref<8192x1024xf32, #tpu.memory_space<hbm>>
    tpu.enqueue_indirect_dma source(%dma_start3A_9 : memref<8192x1024xf32, #tpu.memory_space<hbm>>) target(%arg8 : memref<64x1024xf32, #tpu.memory_space<vmem>>) offsets(%arg7 : memref<64xi32, #tpu.memory_space<vmem>>) semaphore(%arg9 : memref<!tpu.dma_semaphore, #tpu.memory_space<semaphore_mem>>)
    %dma_wait3A_10 = arith.constant 0 : i32
    %dma_wait3A_11 = arith.constant 0 : i32
    %dma_wait3A_12 = tpu.memref_slice %arg2[%dma_wait3A_10, %dma_wait3A_11] : memref<8192x1024xf32, #tpu.memory_space<hbm>> -> memref<8192x1024xf32, #tpu.memory_space<hbm>>
    tpu.wait_indirect_dma semaphore(%arg9 : memref<!tpu.dma_semaphore, #tpu.memory_space<semaphore_mem>>) src(%dma_wait3A_12 : memref<8192x1024xf32, #tpu.memory_space<hbm>>) dst(%arg8 : memref<64x1024xf32, #tpu.memory_space<vmem>>)
    "tpu.region"() ({
      %run_scoped3A = tpu.sem_alloc : memref<!tpu.dma_semaphore, #tpu.memory_space<semaphore_mem>>
      %dma_start3A_13 = arith.constant 0 : i32
      %dma_start3A_14 = tpu.memref_slice %arg6[%mul3A_2, %dma_start3A_13] : memref<2048x1024xf32, #tpu.memory_space<hbm>> -> memref<64x1024xf32, #tpu.memory_space<hbm>>
      %dma_start3A_15 = arith.constant 0 : i32
      %dma_start3A_16 = tpu.memref_slice %arg6[%mul3A_2, %dma_start3A_15] : memref<2048x1024xf32, #tpu.memory_space<hbm>> -> memref<64x1024xf32, #tpu.memory_space<hbm>>
      tpu.enqueue_dma source(%arg8 : memref<64x1024xf32, #tpu.memory_space<vmem>>) target(%dma_start3A_16 : memref<64x1024xf32, #tpu.memory_space<hbm>>) target_semaphore(%run_scoped3A : memref<!tpu.dma_semaphore, #tpu.memory_space<semaphore_mem>>)
      %dma_wait3A_17 = arith.constant 0 : i32
      %dma_wait3A_18 = tpu.memref_slice %arg6[%mul3A_2, %dma_wait3A_17] : memref<2048x1024xf32, #tpu.memory_space<hbm>> -> memref<64x1024xf32, #tpu.memory_space<hbm>>
      %dma_wait3A_19 = arith.constant 0 : i32
      %dma_wait3A_20 = tpu.memref_slice %arg6[%mul3A_2, %dma_wait3A_19] : memref<2048x1024xf32, #tpu.memory_space<hbm>> -> memref<64x1024xf32, #tpu.memory_space<hbm>>
      tpu.wait_dma2 semaphore(%run_scoped3A : memref<!tpu.dma_semaphore, #tpu.memory_space<semaphore_mem>>) src(%arg8 : memref<64x1024xf32, #tpu.memory_space<vmem>>) dst(%dma_wait3A_20 : memref<64x1024xf32, #tpu.memory_space<hbm>>)
      tpu.yield
    }) : () -> ()
    return
  }
}

#map = affine_map<(d0, d1) -> (0, 0)>
#map1 = affine_map<(d0, d1) -> (0)>
module attributes {stable_mosaic.version = 14 : i64} {
  func.func @sc_scatter(%arg0: i32, %arg1: i32, %arg2: memref<2048x1024xf32, #tpu.memory_space<hbm>>, %arg3: memref<2048xi32, #tpu.memory_space<hbm>>, %arg4: memref<2048xi32, #tpu.memory_space<hbm>>, %arg5: memref<8192x1024xf32, #tpu.memory_space<hbm>>, %arg6: memref<64xi32, #tpu.memory_space<vmem>>, %arg7: memref<64xi32, #tpu.memory_space<vmem>>, %arg8: memref<64x1024xf32, #tpu.memory_space<vmem>>, %arg9: memref<!tpu.dma_semaphore, #tpu.memory_space<semaphore_mem>>, %arg10: memref<!tpu.dma_semaphore, #tpu.memory_space<semaphore_mem>>) attributes {dimension_semantics = [#tpu.dimension_semantics<core_parallel>, #tpu.dimension_semantics<subcore_parallel>], iteration_bounds = array<i64: 2, 16>, scalar_prefetch = 0 : i64, scratch_operands = 5 : i64, tpu.core_type = #tpu.core_type<sc_vector_subcore>, window_params = [{transform_indices = #map}, {transform_indices = #map1}, {transform_indices = #map1}, {transform_indices = #map}]} {
    %mul3A = arith.constant 2 : i32
    %mul3A_0 = arith.muli %arg1, %mul3A : i32
    %add3A = arith.addi %mul3A_0, %arg0 : i32
    %mul3A_1 = arith.constant 64 : i32
    %mul3A_2 = arith.muli %add3A, %mul3A_1 : i32
    "tpu.region"() ({
      %run_scoped3A = tpu.sem_alloc : memref<!tpu.dma_semaphore, #tpu.memory_space<semaphore_mem>>
      %dma_start3A_13 = tpu.memref_slice %arg3[%mul3A_2] : memref<2048xi32, #tpu.memory_space<hbm>> -> memref<64xi32, #tpu.memory_space<hbm>>
      %dma_start3A_14 = tpu.memref_slice %arg3[%mul3A_2] : memref<2048xi32, #tpu.memory_space<hbm>> -> memref<64xi32, #tpu.memory_space<hbm>>
      tpu.enqueue_dma source(%dma_start3A_14 : memref<64xi32, #tpu.memory_space<hbm>>) target(%arg6 : memref<64xi32, #tpu.memory_space<vmem>>) target_semaphore(%run_scoped3A : memref<!tpu.dma_semaphore, #tpu.memory_space<semaphore_mem>>)
      %dma_wait3A_15 = tpu.memref_slice %arg3[%mul3A_2] : memref<2048xi32, #tpu.memory_space<hbm>> -> memref<64xi32, #tpu.memory_space<hbm>>
      %dma_wait3A_16 = tpu.memref_slice %arg3[%mul3A_2] : memref<2048xi32, #tpu.memory_space<hbm>> -> memref<64xi32, #tpu.memory_space<hbm>>
      tpu.wait_dma2 semaphore(%run_scoped3A : memref<!tpu.dma_semaphore, #tpu.memory_space<semaphore_mem>>) src(%dma_wait3A_16 : memref<64xi32, #tpu.memory_space<hbm>>) dst(%arg6 : memref<64xi32, #tpu.memory_space<vmem>>)
      tpu.yield
    }) : () -> ()
    "tpu.region"() ({
      %run_scoped3A = tpu.sem_alloc : memref<!tpu.dma_semaphore, #tpu.memory_space<semaphore_mem>>
      %dma_start3A_13 = tpu.memref_slice %arg4[%mul3A_2] : memref<2048xi32, #tpu.memory_space<hbm>> -> memref<64xi32, #tpu.memory_space<hbm>>
      %dma_start3A_14 = tpu.memref_slice %arg4[%mul3A_2] : memref<2048xi32, #tpu.memory_space<hbm>> -> memref<64xi32, #tpu.memory_space<hbm>>
      tpu.enqueue_dma source(%dma_start3A_14 : memref<64xi32, #tpu.memory_space<hbm>>) target(%arg7 : memref<64xi32, #tpu.memory_space<vmem>>) target_semaphore(%run_scoped3A : memref<!tpu.dma_semaphore, #tpu.memory_space<semaphore_mem>>)
      %dma_wait3A_15 = tpu.memref_slice %arg4[%mul3A_2] : memref<2048xi32, #tpu.memory_space<hbm>> -> memref<64xi32, #tpu.memory_space<hbm>>
      %dma_wait3A_16 = tpu.memref_slice %arg4[%mul3A_2] : memref<2048xi32, #tpu.memory_space<hbm>> -> memref<64xi32, #tpu.memory_space<hbm>>
      tpu.wait_dma2 semaphore(%run_scoped3A : memref<!tpu.dma_semaphore, #tpu.memory_space<semaphore_mem>>) src(%dma_wait3A_16 : memref<64xi32, #tpu.memory_space<hbm>>) dst(%arg7 : memref<64xi32, #tpu.memory_space<vmem>>)
      tpu.yield
    }) : () -> ()
    "tpu.region"() ({
      %run_scoped3A = tpu.sem_alloc : memref<!tpu.dma_semaphore, #tpu.memory_space<semaphore_mem>>
      %dma_start3A_13 = arith.constant 0 : i32
      %dma_start3A_14 = tpu.memref_slice %arg2[%mul3A_2, %dma_start3A_13] : memref<2048x1024xf32, #tpu.memory_space<hbm>> -> memref<64x1024xf32, #tpu.memory_space<hbm>>
      %dma_start3A_15 = arith.constant 0 : i32
      %dma_start3A_16 = tpu.memref_slice %arg2[%mul3A_2, %dma_start3A_15] : memref<2048x1024xf32, #tpu.memory_space<hbm>> -> memref<64x1024xf32, #tpu.memory_space<hbm>>
      tpu.enqueue_dma source(%dma_start3A_16 : memref<64x1024xf32, #tpu.memory_space<hbm>>) target(%arg8 : memref<64x1024xf32, #tpu.memory_space<vmem>>) target_semaphore(%run_scoped3A : memref<!tpu.dma_semaphore, #tpu.memory_space<semaphore_mem>>)
      %dma_wait3A_17 = arith.constant 0 : i32
      %dma_wait3A_18 = tpu.memref_slice %arg2[%mul3A_2, %dma_wait3A_17] : memref<2048x1024xf32, #tpu.memory_space<hbm>> -> memref<64x1024xf32, #tpu.memory_space<hbm>>
      %dma_wait3A_19 = arith.constant 0 : i32
      %dma_wait3A_20 = tpu.memref_slice %arg2[%mul3A_2, %dma_wait3A_19] : memref<2048x1024xf32, #tpu.memory_space<hbm>> -> memref<64x1024xf32, #tpu.memory_space<hbm>>
      tpu.wait_dma2 semaphore(%run_scoped3A : memref<!tpu.dma_semaphore, #tpu.memory_space<semaphore_mem>>) src(%dma_wait3A_20 : memref<64x1024xf32, #tpu.memory_space<hbm>>) dst(%arg8 : memref<64x1024xf32, #tpu.memory_space<vmem>>)
      tpu.yield
    }) : () -> ()
    %dma_start3A = arith.constant 0 : i32
    %dma_start3A_3 = arith.constant 0 : i32
    %dma_start3A_4 = tpu.memref_slice %arg5[%dma_start3A, %dma_start3A_3] : memref<8192x1024xf32, #tpu.memory_space<hbm>> -> memref<8192x1024xf32, #tpu.memory_space<hbm>>
    tpu.enqueue_indirect_dma source(%arg8 : memref<64x1024xf32, #tpu.memory_space<vmem>>) target(%dma_start3A_4 : memref<8192x1024xf32, #tpu.memory_space<hbm>>) offsets(%arg6 : memref<64xi32, #tpu.memory_space<vmem>>) semaphore(%arg9 : memref<!tpu.dma_semaphore, #tpu.memory_space<semaphore_mem>>)
    %dma_start3A_5 = arith.constant 0 : i32
    %dma_start3A_6 = arith.constant 0 : i32
    %dma_start3A_7 = tpu.memref_slice %arg5[%dma_start3A_5, %dma_start3A_6] : memref<8192x1024xf32, #tpu.memory_space<hbm>> -> memref<8192x1024xf32, #tpu.memory_space<hbm>>
    tpu.enqueue_indirect_dma source(%arg8 : memref<64x1024xf32, #tpu.memory_space<vmem>>) target(%dma_start3A_7 : memref<8192x1024xf32, #tpu.memory_space<hbm>>) offsets(%arg7 : memref<64xi32, #tpu.memory_space<vmem>>) semaphore(%arg10 : memref<!tpu.dma_semaphore, #tpu.memory_space<semaphore_mem>>)
    %dma_wait3A = arith.constant 0 : i32
    %dma_wait3A_8 = arith.constant 0 : i32
    %dma_wait3A_9 = tpu.memref_slice %arg5[%dma_wait3A, %dma_wait3A_8] : memref<8192x1024xf32, #tpu.memory_space<hbm>> -> memref<8192x1024xf32, #tpu.memory_space<hbm>>
    tpu.wait_indirect_dma semaphore(%arg9 : memref<!tpu.dma_semaphore, #tpu.memory_space<semaphore_mem>>) src(%arg8 : memref<64x1024xf32, #tpu.memory_space<vmem>>) dst(%dma_wait3A_9 : memref<8192x1024xf32, #tpu.memory_space<hbm>>)
    %dma_wait3A_10 = arith.constant 0 : i32
    %dma_wait3A_11 = arith.constant 0 : i32
    %dma_wait3A_12 = tpu.memref_slice %arg5[%dma_wait3A_10, %dma_wait3A_11] : memref<8192x1024xf32, #tpu.memory_space<hbm>> -> memref<8192x1024xf32, #tpu.memory_space<hbm>>
    tpu.wait_indirect_dma semaphore(%arg10 : memref<!tpu.dma_semaphore, #tpu.memory_space<semaphore_mem>>) src(%arg8 : memref<64x1024xf32, #tpu.memory_space<vmem>>) dst(%dma_wait3A_12 : memref<8192x1024xf32, #tpu.memory_space<hbm>>)
    return
  }
}

module attributes {stable_mosaic.version = 14 : i64} {
  func.func @_experts_body(%arg0: i32, %arg1: memref<17xi32, #tpu.memory_space<smem>>, %arg2: memref<8192x1024xf32, #tpu.memory_space<hbm>>, %arg3: memref<1x512x1024xf32, #tpu.memory_space<vmem>>, %arg4: memref<1x512x1024xf32, #tpu.memory_space<vmem>>, %arg5: memref<1x1024x512xf32, #tpu.memory_space<vmem>>, %arg6: memref<8192x1024xf32, #tpu.memory_space<hbm>>, %arg7: memref<2x256x1024xf32, #tpu.memory_space<vmem>>, %arg8: memref<2x256x1024xf32, #tpu.memory_space<vmem>>, %arg9: memref<1024x1024xbf16, #tpu.memory_space<vmem>>, %arg10: memref<1024x512xbf16, #tpu.memory_space<vmem>>, %arg11: memref<2x!tpu.dma_semaphore, #tpu.memory_space<semaphore_mem>>, %arg12: memref<2x!tpu.dma_semaphore, #tpu.memory_space<semaphore_mem>>) attributes {dimension_semantics = [#tpu.dimension_semantics<arbitrary>], iteration_bounds = array<i64: 16>, scalar_prefetch = 1 : i64, scratch_operands = 6 : i64, tpu.core_type = #tpu.core_type<tc>, window_params = [{}, {transform_indices = @transform_1, window_bounds = array<i64: 1, 512, 1024>}, {transform_indices = @transform_2, window_bounds = array<i64: 1, 512, 1024>}, {transform_indices = @transform_3, window_bounds = array<i64: 1, 1024, 512>}, {}]} {
    %get3A = arith.constant 0 : index
    %get3A_0 = arith.constant 0 : index
    %get3A_1 = arith.constant 0 : index
    %get3A_2 = vector.load %arg3[%get3A, %get3A_0, %get3A_1] : memref<1x512x1024xf32, #tpu.memory_space<vmem>>, vector<1x512x1024xf32>
    %get3A_3 = vector.shape_cast %get3A_2 : vector<1x512x1024xf32> to vector<512x1024xf32>
    %convert_element_type3A = arith.truncf %get3A_3 : vector<512x1024xf32> to vector<512x1024xbf16>
    %swap3A = arith.constant 0 : index
    %swap3A_4 = arith.constant 0 : index
    %swap3A_5 = vector.load %arg9[%swap3A, %swap3A_4] : memref<1024x1024xbf16, #tpu.memory_space<vmem>>, vector<512x1024xbf16>
    tpu.vector_store %arg9[%swap3A, %swap3A_4], %convert_element_type3A {strides = array<i32>} : memref<1024x1024xbf16, #tpu.memory_space<vmem>>, vector<512x1024xbf16>,
    %get3A_6 = arith.constant 0 : index
    %get3A_7 = arith.constant 0 : index
    %get3A_8 = arith.constant 0 : index
    %get3A_9 = vector.load %arg4[%get3A_6, %get3A_7, %get3A_8] : memref<1x512x1024xf32, #tpu.memory_space<vmem>>, vector<1x512x1024xf32>
    %get3A_10 = vector.shape_cast %get3A_9 : vector<1x512x1024xf32> to vector<512x1024xf32>
    %convert_element_type3A_11 = arith.truncf %get3A_10 : vector<512x1024xf32> to vector<512x1024xbf16>
    %swap3A_12 = arith.constant 512 : index
    %swap3A_13 = arith.constant 0 : index
    %swap3A_14 = vector.load %arg9[%swap3A_12, %swap3A_13] : memref<1024x1024xbf16, #tpu.memory_space<vmem>>, vector<512x1024xbf16>
    tpu.vector_store %arg9[%swap3A_12, %swap3A_13], %convert_element_type3A_11 {strides = array<i32>} : memref<1024x1024xbf16, #tpu.memory_space<vmem>>, vector<512x1024xbf16>,
    %get3A_15 = arith.constant 0 : index
    %get3A_16 = arith.constant 0 : index
    %get3A_17 = arith.constant 0 : index
    %get3A_18 = vector.load %arg5[%get3A_15, %get3A_16, %get3A_17] : memref<1x1024x512xf32, #tpu.memory_space<vmem>>, vector<1x1024x512xf32>
    %get3A_19 = vector.shape_cast %get3A_18 : vector<1x1024x512xf32> to vector<1024x512xf32>
    %convert_element_type3A_20 = arith.truncf %get3A_19 : vector<1024x512xf32> to vector<1024x512xbf16>
    %swap3A_21 = arith.constant 0 : index
    %swap3A_22 = arith.constant 0 : index
    %swap3A_23 = vector.load %arg10[%swap3A_21, %swap3A_22] : memref<1024x512xbf16, #tpu.memory_space<vmem>>, vector<1024x512xbf16>
    tpu.vector_store %arg10[%swap3A_21, %swap3A_22], %convert_element_type3A_20 {strides = array<i32>} : memref<1024x512xbf16, #tpu.memory_space<vmem>>, vector<1024x512xbf16>,
    %get3A_24 = arith.index_cast %arg0 : i32 to index
    %get3A_25 = memref.load %arg1[%get3A_24] : memref<17xi32, #tpu.memory_space<smem>>
    %add3A = arith.constant 1 : i32
    %add3A_26 = arith.addi %arg0, %add3A : i32
    %get3A_27 = arith.index_cast %add3A_26 : i32 to index
    %get3A_28 = memref.load %arg1[%get3A_27] : memref<17xi32, #tpu.memory_space<smem>>
    %sub3A = arith.subi %get3A_28, %get3A_25 : i32
    %gt3A = arith.constant 0 : i32
    %gt3A_29 = arith.cmpi sgt, %sub3A, %gt3A : i32
    %convert_element_type3A_30 = arith.extui %gt3A_29 : i1 to i32
    %cond3A = arith.constant 0 : i32
    %cond3A_31 = arith.cmpi ne, %convert_element_type3A_30, %cond3A : i32
    scf.if %cond3A_31 {
      %rem3A = arith.constant 2 : i32
      %rem3A_50 = arith.remsi %get3A_25, %rem3A : i32
      %mul3A = arith.constant 256 : i32
      %mul3A_51 = arith.muli %get3A_25, %mul3A : i32
      %dma_start3A = tpu.memref_slice %arg11[%rem3A_50] : memref<2x!tpu.dma_semaphore, #tpu.memory_space<semaphore_mem>> -> memref<1x!tpu.dma_semaphore, #tpu.memory_space<semaphore_mem>>
      %dma_start3A_52 = tpu.memref_squeeze %dma_start3A : memref<1x!tpu.dma_semaphore, #tpu.memory_space<semaphore_mem>> -> memref<!tpu.dma_semaphore, #tpu.memory_space<semaphore_mem>>
      %dma_start3A_53 = arith.constant 0 : i32
      %dma_start3A_54 = arith.constant 0 : i32
      %dma_start3A_55 = tpu.memref_slice %arg7[%rem3A_50, %dma_start3A_53, %dma_start3A_54] : memref<2x256x1024xf32, #tpu.memory_space<vmem>> -> memref<1x256x1024xf32, #tpu.memory_space<vmem>>
      %dma_start3A_56 = tpu.memref_squeeze %dma_start3A_55 : memref<1x256x1024xf32, #tpu.memory_space<vmem>> -> memref<256x1024xf32, #tpu.memory_space<vmem>>
      %dma_start3A_57 = arith.constant 0 : i32
      %dma_start3A_58 = tpu.memref_slice %arg2[%mul3A_51, %dma_start3A_57] : memref<8192x1024xf32, #tpu.memory_space<hbm>> -> memref<256x1024xf32, #tpu.memory_space<hbm>>
      tpu.enqueue_dma source(%dma_start3A_58 : memref<256x1024xf32, #tpu.memory_space<hbm>>) target(%dma_start3A_56 : memref<256x1024xf32, #tpu.memory_space<vmem>>) target_semaphore(%dma_start3A_52 : memref<!tpu.dma_semaphore, #tpu.memory_space<semaphore_mem>>)
    } else {
    }
    %while3A = arith.constant 0 : i32
    %while3A_32 = arith.subi %get3A_28, %get3A_25 : i32
    %while3A_33 = arith.addi %get3A_25, %while3A_32 : i32
    %while3A_34 = arith.constant 1 : i32
    %while3A_35 = arith.divsi %while3A_32, %while3A_34 : i32
    %while3A_36 = arith.muli %while3A_35, %while3A_34 : i32
    %while3A_37 = arith.addi %get3A_25, %while3A_36 : i32
    %while3A_38 = arith.constant 1 : i32
    scf.for %while3A_50 = %get3A_25 to %while3A_37 step %while3A_38  : i32 {
      %rem3A = arith.constant 2 : i32
      %rem3A_51 = arith.remsi %while3A_50, %rem3A : i32
      %add3A_52 = arith.constant 1 : i32
      %add3A_53 = arith.addi %while3A_50, %add3A_52 : i32
      %rem3A_54 = arith.constant 2 : i32
      %rem3A_55 = arith.remsi %add3A_53, %rem3A_54 : i32
      %add3A_56 = arith.constant 1 : i32
      %add3A_57 = arith.addi %while3A_50, %add3A_56 : i32
      %lt3A = arith.cmpi slt, %add3A_57, %get3A_28 : i32
      %convert_element_type3A_58 = arith.extui %lt3A : i1 to i32
      %cond3A_59 = arith.constant 0 : i32
      %cond3A_60 = arith.cmpi ne, %convert_element_type3A_58, %cond3A_59 : i32
      scf.if %cond3A_60 {
        %add3A_113 = arith.constant 1 : i32
        %add3A_114 = arith.addi %while3A_50, %add3A_113 : i32
        %mul3A_115 = arith.constant 256 : i32
        %mul3A_116 = arith.muli %add3A_114, %mul3A_115 : i32
        %dma_start3A_117 = tpu.memref_slice %arg11[%rem3A_55] : memref<2x!tpu.dma_semaphore, #tpu.memory_space<semaphore_mem>> -> memref<1x!tpu.dma_semaphore, #tpu.memory_space<semaphore_mem>>
        %dma_start3A_118 = tpu.memref_squeeze %dma_start3A_117 : memref<1x!tpu.dma_semaphore, #tpu.memory_space<semaphore_mem>> -> memref<!tpu.dma_semaphore, #tpu.memory_space<semaphore_mem>>
        %dma_start3A_119 = arith.constant 0 : i32
        %dma_start3A_120 = arith.constant 0 : i32
        %dma_start3A_121 = tpu.memref_slice %arg7[%rem3A_55, %dma_start3A_119, %dma_start3A_120] : memref<2x256x1024xf32, #tpu.memory_space<vmem>> -> memref<1x256x1024xf32, #tpu.memory_space<vmem>>
        %dma_start3A_122 = tpu.memref_squeeze %dma_start3A_121 : memref<1x256x1024xf32, #tpu.memory_space<vmem>> -> memref<256x1024xf32, #tpu.memory_space<vmem>>
        %dma_start3A_123 = arith.constant 0 : i32
        %dma_start3A_124 = tpu.memref_slice %arg2[%mul3A_116, %dma_start3A_123] : memref<8192x1024xf32, #tpu.memory_space<hbm>> -> memref<256x1024xf32, #tpu.memory_space<hbm>>
        tpu.enqueue_dma source(%dma_start3A_124 : memref<256x1024xf32, #tpu.memory_space<hbm>>) target(%dma_start3A_122 : memref<256x1024xf32, #tpu.memory_space<vmem>>) target_semaphore(%dma_start3A_118 : memref<!tpu.dma_semaphore, #tpu.memory_space<semaphore_mem>>)
      } else {
      }
      %mul3A = arith.constant 256 : i32
      %mul3A_61 = arith.muli %while3A_50, %mul3A : i32
      %dma_wait3A = tpu.memref_slice %arg11[%rem3A_51] : memref<2x!tpu.dma_semaphore, #tpu.memory_space<semaphore_mem>> -> memref<1x!tpu.dma_semaphore, #tpu.memory_space<semaphore_mem>>
      %dma_wait3A_62 = tpu.memref_squeeze %dma_wait3A : memref<1x!tpu.dma_semaphore, #tpu.memory_space<semaphore_mem>> -> memref<!tpu.dma_semaphore, #tpu.memory_space<semaphore_mem>>
      %dma_wait3A_63 = arith.constant 0 : i32
      %dma_wait3A_64 = arith.constant 0 : i32
      %dma_wait3A_65 = tpu.memref_slice %arg7[%rem3A_51, %dma_wait3A_63, %dma_wait3A_64] : memref<2x256x1024xf32, #tpu.memory_space<vmem>> -> memref<1x256x1024xf32, #tpu.memory_space<vmem>>
      %dma_wait3A_66 = tpu.memref_squeeze %dma_wait3A_65 : memref<1x256x1024xf32, #tpu.memory_space<vmem>> -> memref<256x1024xf32, #tpu.memory_space<vmem>>
      %dma_wait3A_67 = arith.constant 0 : i32
      %dma_wait3A_68 = tpu.memref_slice %arg2[%mul3A_61, %dma_wait3A_67] : memref<8192x1024xf32, #tpu.memory_space<hbm>> -> memref<256x1024xf32, #tpu.memory_space<hbm>>
      tpu.wait_dma2 semaphore(%dma_wait3A_62 : memref<!tpu.dma_semaphore, #tpu.memory_space<semaphore_mem>>) src(%dma_wait3A_68 : memref<256x1024xf32, #tpu.memory_space<hbm>>) dst(%dma_wait3A_66 : memref<256x1024xf32, #tpu.memory_space<vmem>>)
      %get3A_69 = arith.index_cast %rem3A_51 : i32 to index
      %get3A_70 = arith.constant 0 : index
      %get3A_71 = arith.constant 0 : index
      %get3A_72 = vector.load %arg7[%get3A_69, %get3A_70, %get3A_71] : memref<2x256x1024xf32, #tpu.memory_space<vmem>>, vector<1x256x1024xf32>
      %get3A_73 = vector.shape_cast %get3A_72 : vector<1x256x1024xf32> to vector<256x1024xf32>
      %convert_element_type3A_74 = arith.truncf %get3A_73 : vector<256x1024xf32> to vector<256x1024xbf16>
      %get3A_75 = arith.constant 0 : index
      %get3A_76 = arith.constant 0 : index
      %get3A_77 = vector.load %arg9[%get3A_75, %get3A_76] : memref<1024x1024xbf16, #tpu.memory_space<vmem>>, vector<1024x1024xbf16>
      %dot_general3A = arith.constant dense<0.000000e+00> : vector<256x1024xf32>
      %dot_general3A_78 = tpu.matmul %convert_element_type3A_74, %get3A_77, %dot_general3A {dimension_numbers = #tpu.dot_dimension_numbers<[1], [1], [0], [0], [0, 0, 1, 0], [], []>, transpose_lhs_hint = false} : vector<256x1024xbf16>, vector<1024x1024xbf16>, vector<256x1024xf32> -> vector<256x1024xf32>
      %slice3A = vector.extract_strided_slice %dot_general3A_78 {offsets = [0, 0], sizes = [256, 512], strides = [1, 1]} : vector<256x1024xf32> to vector<256x512xf32>
      %slice3A_79 = vector.extract_strided_slice %dot_general3A_78 {offsets = [0, 512], sizes = [256, 512], strides = [1, 1]} : vector<256x1024xf32> to vector<256x512xf32>
      %logistic3A = arith.negf %slice3A : vector<256x512xf32>
      %logistic3A_80 = math.exp %logistic3A : vector<256x512xf32>
      %logistic3A_81 = arith.constant 1.000000e+00 : f32
      %logistic3A_82 = vector.broadcast %logistic3A_81 : f32 to vector<256x512xf32>
      %logistic3A_83 = arith.addf %logistic3A_82, %logistic3A_80 : vector<256x512xf32>
      %logistic3A_84 = arith.divf %logistic3A_82, %logistic3A_83 : vector<256x512xf32>
      %mul3A_85 = arith.mulf %slice3A, %logistic3A_84 : vector<256x512xf32>
      %mul3A_86 = arith.mulf %mul3A_85, %slice3A_79 : vector<256x512xf32>
      %convert_element_type3A_87 = arith.truncf %mul3A_86 : vector<256x512xf32> to vector<256x512xbf16>
      %get3A_88 = arith.constant 0 : index
      %get3A_89 = arith.constant 0 : index
      %get3A_90 = vector.load %arg10[%get3A_88, %get3A_89] : memref<1024x512xbf16, #tpu.memory_space<vmem>>, vector<1024x512xbf16>
      %dot_general3A_91 = arith.constant dense<0.000000e+00> : vector<256x1024xf32>
      %dot_general3A_92 = tpu.matmul %convert_element_type3A_87, %get3A_90, %dot_general3A_91 {dimension_numbers = #tpu.dot_dimension_numbers<[1], [1], [0], [0], [0, 0, 1, 0], [], []>, transpose_lhs_hint = false} : vector<256x512xbf16>, vector<1024x512xbf16>, vector<256x1024xf32> -> vector<256x1024xf32>
      %sub3A_93 = arith.constant 2 : i32
      %sub3A_94 = arith.subi %while3A_50, %sub3A_93 : i32
      %ge3A = arith.cmpi sge, %sub3A_94, %get3A_25 : i32
      %convert_element_type3A_95 = arith.extui %ge3A : i1 to i32
      %cond3A_96 = arith.constant 0 : i32
      %cond3A_97 = arith.cmpi ne, %convert_element_type3A_95, %cond3A_96 : i32
      scf.if %cond3A_97 {
        %sub3A_113 = arith.constant 2 : i32
        %sub3A_114 = arith.subi %while3A_50, %sub3A_113 : i32
        %mul3A_115 = arith.constant 256 : i32
        %mul3A_116 = arith.muli %sub3A_114, %mul3A_115 : i32
        %dma_wait3A_117 = tpu.memref_slice %arg12[%rem3A_51] : memref<2x!tpu.dma_semaphore, #tpu.memory_space<semaphore_mem>> -> memref<1x!tpu.dma_semaphore, #tpu.memory_space<semaphore_mem>>
        %dma_wait3A_118 = tpu.memref_squeeze %dma_wait3A_117 : memref<1x!tpu.dma_semaphore, #tpu.memory_space<semaphore_mem>> -> memref<!tpu.dma_semaphore, #tpu.memory_space<semaphore_mem>>
        %dma_wait3A_119 = arith.constant 0 : i32
        %dma_wait3A_120 = tpu.memref_slice %arg6[%mul3A_116, %dma_wait3A_119] : memref<8192x1024xf32, #tpu.memory_space<hbm>> -> memref<256x1024xf32, #tpu.memory_space<hbm>>
        %dma_wait3A_121 = arith.constant 0 : i32
        %dma_wait3A_122 = arith.constant 0 : i32
        %dma_wait3A_123 = tpu.memref_slice %arg8[%rem3A_51, %dma_wait3A_121, %dma_wait3A_122] : memref<2x256x1024xf32, #tpu.memory_space<vmem>> -> memref<1x256x1024xf32, #tpu.memory_space<vmem>>
        %dma_wait3A_124 = tpu.memref_squeeze %dma_wait3A_123 : memref<1x256x1024xf32, #tpu.memory_space<vmem>> -> memref<256x1024xf32, #tpu.memory_space<vmem>>
        tpu.wait_dma2 semaphore(%dma_wait3A_118 : memref<!tpu.dma_semaphore, #tpu.memory_space<semaphore_mem>>) src(%dma_wait3A_124 : memref<256x1024xf32, #tpu.memory_space<vmem>>) dst(%dma_wait3A_120 : memref<256x1024xf32, #tpu.memory_space<hbm>>)
      } else {
      }
      %swap3A_98 = arith.index_cast %rem3A_51 : i32 to index
      %swap3A_99 = arith.constant 0 : index
      %swap3A_100 = arith.constant 0 : index
      %swap3A_101 = vector.load %arg8[%swap3A_98, %swap3A_99, %swap3A_100] : memref<2x256x1024xf32, #tpu.memory_space<vmem>>, vector<1x256x1024xf32>
      %swap3A_102 = vector.shape_cast %swap3A_101 : vector<1x256x1024xf32> to vector<256x1024xf32>
      %swap3A_103 = vector.shape_cast %dot_general3A_92 : vector<256x1024xf32> to vector<1x256x1024xf32>
      tpu.vector_store %arg8[%swap3A_98, %swap3A_99, %swap3A_100], %swap3A_103 {strides = array<i32>} : memref<2x256x1024xf32, #tpu.memory_space<vmem>>, vector<1x256x1024xf32>,
      %mul3A_104 = arith.constant 256 : i32
      %mul3A_105 = arith.muli %while3A_50, %mul3A_104 : i32
      %dma_start3A = tpu.memref_slice %arg12[%rem3A_51] : memref<2x!tpu.dma_semaphore, #tpu.memory_space<semaphore_mem>> -> memref<1x!tpu.dma_semaphore, #tpu.memory_space<semaphore_mem>>
      %dma_start3A_106 = tpu.memref_squeeze %dma_start3A : memref<1x!tpu.dma_semaphore, #tpu.memory_space<semaphore_mem>> -> memref<!tpu.dma_semaphore, #tpu.memory_space<semaphore_mem>>
      %dma_start3A_107 = arith.constant 0 : i32
      %dma_start3A_108 = tpu.memref_slice %arg6[%mul3A_105, %dma_start3A_107] : memref<8192x1024xf32, #tpu.memory_space<hbm>> -> memref<256x1024xf32, #tpu.memory_space<hbm>>
      %dma_start3A_109 = arith.constant 0 : i32
      %dma_start3A_110 = arith.constant 0 : i32
      %dma_start3A_111 = tpu.memref_slice %arg8[%rem3A_51, %dma_start3A_109, %dma_start3A_110] : memref<2x256x1024xf32, #tpu.memory_space<vmem>> -> memref<1x256x1024xf32, #tpu.memory_space<vmem>>
      %dma_start3A_112 = tpu.memref_squeeze %dma_start3A_111 : memref<1x256x1024xf32, #tpu.memory_space<vmem>> -> memref<256x1024xf32, #tpu.memory_space<vmem>>
      tpu.enqueue_dma source(%dma_start3A_112 : memref<256x1024xf32, #tpu.memory_space<vmem>>) target(%dma_start3A_108 : memref<256x1024xf32, #tpu.memory_space<hbm>>) target_semaphore(%dma_start3A_106 : memref<!tpu.dma_semaphore, #tpu.memory_space<semaphore_mem>>)
    }
    %while3A_39 = arith.constant 1 : i32
    scf.for %while3A_50 = %while3A_37 to %while3A_33 step %while3A_39  : i32 {
      %rem3A = arith.constant 2 : i32
      %rem3A_51 = arith.remsi %while3A_50, %rem3A : i32
      %add3A_52 = arith.constant 1 : i32
      %add3A_53 = arith.addi %while3A_50, %add3A_52 : i32
      %rem3A_54 = arith.constant 2 : i32
      %rem3A_55 = arith.remsi %add3A_53, %rem3A_54 : i32
      %add3A_56 = arith.constant 1 : i32
      %add3A_57 = arith.addi %while3A_50, %add3A_56 : i32
      %lt3A = arith.cmpi slt, %add3A_57, %get3A_28 : i32
      %convert_element_type3A_58 = arith.extui %lt3A : i1 to i32
      %cond3A_59 = arith.constant 0 : i32
      %cond3A_60 = arith.cmpi ne, %convert_element_type3A_58, %cond3A_59 : i32
      scf.if %cond3A_60 {
        %add3A_113 = arith.constant 1 : i32
        %add3A_114 = arith.addi %while3A_50, %add3A_113 : i32
        %mul3A_115 = arith.constant 256 : i32
        %mul3A_116 = arith.muli %add3A_114, %mul3A_115 : i32
        %dma_start3A_117 = tpu.memref_slice %arg11[%rem3A_55] : memref<2x!tpu.dma_semaphore, #tpu.memory_space<semaphore_mem>> -> memref<1x!tpu.dma_semaphore, #tpu.memory_space<semaphore_mem>>
        %dma_start3A_118 = tpu.memref_squeeze %dma_start3A_117 : memref<1x!tpu.dma_semaphore, #tpu.memory_space<semaphore_mem>> -> memref<!tpu.dma_semaphore, #tpu.memory_space<semaphore_mem>>
        %dma_start3A_119 = arith.constant 0 : i32
        %dma_start3A_120 = arith.constant 0 : i32
        %dma_start3A_121 = tpu.memref_slice %arg7[%rem3A_55, %dma_start3A_119, %dma_start3A_120] : memref<2x256x1024xf32, #tpu.memory_space<vmem>> -> memref<1x256x1024xf32, #tpu.memory_space<vmem>>
        %dma_start3A_122 = tpu.memref_squeeze %dma_start3A_121 : memref<1x256x1024xf32, #tpu.memory_space<vmem>> -> memref<256x1024xf32, #tpu.memory_space<vmem>>
        %dma_start3A_123 = arith.constant 0 : i32
        %dma_start3A_124 = tpu.memref_slice %arg2[%mul3A_116, %dma_start3A_123] : memref<8192x1024xf32, #tpu.memory_space<hbm>> -> memref<256x1024xf32, #tpu.memory_space<hbm>>
        tpu.enqueue_dma source(%dma_start3A_124 : memref<256x1024xf32, #tpu.memory_space<hbm>>) target(%dma_start3A_122 : memref<256x1024xf32, #tpu.memory_space<vmem>>) target_semaphore(%dma_start3A_118 : memref<!tpu.dma_semaphore, #tpu.memory_space<semaphore_mem>>)
      } else {
      }
      %mul3A = arith.constant 256 : i32
      %mul3A_61 = arith.muli %while3A_50, %mul3A : i32
      %dma_wait3A = tpu.memref_slice %arg11[%rem3A_51] : memref<2x!tpu.dma_semaphore, #tpu.memory_space<semaphore_mem>> -> memref<1x!tpu.dma_semaphore, #tpu.memory_space<semaphore_mem>>
      %dma_wait3A_62 = tpu.memref_squeeze %dma_wait3A : memref<1x!tpu.dma_semaphore, #tpu.memory_space<semaphore_mem>> -> memref<!tpu.dma_semaphore, #tpu.memory_space<semaphore_mem>>
      %dma_wait3A_63 = arith.constant 0 : i32
      %dma_wait3A_64 = arith.constant 0 : i32
      %dma_wait3A_65 = tpu.memref_slice %arg7[%rem3A_51, %dma_wait3A_63, %dma_wait3A_64] : memref<2x256x1024xf32, #tpu.memory_space<vmem>> -> memref<1x256x1024xf32, #tpu.memory_space<vmem>>
      %dma_wait3A_66 = tpu.memref_squeeze %dma_wait3A_65 : memref<1x256x1024xf32, #tpu.memory_space<vmem>> -> memref<256x1024xf32, #tpu.memory_space<vmem>>
      %dma_wait3A_67 = arith.constant 0 : i32
      %dma_wait3A_68 = tpu.memref_slice %arg2[%mul3A_61, %dma_wait3A_67] : memref<8192x1024xf32, #tpu.memory_space<hbm>> -> memref<256x1024xf32, #tpu.memory_space<hbm>>
      tpu.wait_dma2 semaphore(%dma_wait3A_62 : memref<!tpu.dma_semaphore, #tpu.memory_space<semaphore_mem>>) src(%dma_wait3A_68 : memref<256x1024xf32, #tpu.memory_space<hbm>>) dst(%dma_wait3A_66 : memref<256x1024xf32, #tpu.memory_space<vmem>>)
      %get3A_69 = arith.index_cast %rem3A_51 : i32 to index
      %get3A_70 = arith.constant 0 : index
      %get3A_71 = arith.constant 0 : index
      %get3A_72 = vector.load %arg7[%get3A_69, %get3A_70, %get3A_71] : memref<2x256x1024xf32, #tpu.memory_space<vmem>>, vector<1x256x1024xf32>
      %get3A_73 = vector.shape_cast %get3A_72 : vector<1x256x1024xf32> to vector<256x1024xf32>
      %convert_element_type3A_74 = arith.truncf %get3A_73 : vector<256x1024xf32> to vector<256x1024xbf16>
      %get3A_75 = arith.constant 0 : index
      %get3A_76 = arith.constant 0 : index
      %get3A_77 = vector.load %arg9[%get3A_75, %get3A_76] : memref<1024x1024xbf16, #tpu.memory_space<vmem>>, vector<1024x1024xbf16>
      %dot_general3A = arith.constant dense<0.000000e+00> : vector<256x1024xf32>
      %dot_general3A_78 = tpu.matmul %convert_element_type3A_74, %get3A_77, %dot_general3A {dimension_numbers = #tpu.dot_dimension_numbers<[1], [1], [0], [0], [0, 0, 1, 0], [], []>, transpose_lhs_hint = false} : vector<256x1024xbf16>, vector<1024x1024xbf16>, vector<256x1024xf32> -> vector<256x1024xf32>
      %slice3A = vector.extract_strided_slice %dot_general3A_78 {offsets = [0, 0], sizes = [256, 512], strides = [1, 1]} : vector<256x1024xf32> to vector<256x512xf32>
      %slice3A_79 = vector.extract_strided_slice %dot_general3A_78 {offsets = [0, 512], sizes = [256, 512], strides = [1, 1]} : vector<256x1024xf32> to vector<256x512xf32>
      %logistic3A = arith.negf %slice3A : vector<256x512xf32>
      %logistic3A_80 = math.exp %logistic3A : vector<256x512xf32>
      %logistic3A_81 = arith.constant 1.000000e+00 : f32
      %logistic3A_82 = vector.broadcast %logistic3A_81 : f32 to vector<256x512xf32>
      %logistic3A_83 = arith.addf %logistic3A_82, %logistic3A_80 : vector<256x512xf32>
      %logistic3A_84 = arith.divf %logistic3A_82, %logistic3A_83 : vector<256x512xf32>
      %mul3A_85 = arith.mulf %slice3A, %logistic3A_84 : vector<256x512xf32>
      %mul3A_86 = arith.mulf %mul3A_85, %slice3A_79 : vector<256x512xf32>
      %convert_element_type3A_87 = arith.truncf %mul3A_86 : vector<256x512xf32> to vector<256x512xbf16>
      %get3A_88 = arith.constant 0 : index
      %get3A_89 = arith.constant 0 : index
      %get3A_90 = vector.load %arg10[%get3A_88, %get3A_89] : memref<1024x512xbf16, #tpu.memory_space<vmem>>, vector<1024x512xbf16>
      %dot_general3A_91 = arith.constant dense<0.000000e+00> : vector<256x1024xf32>
      %dot_general3A_92 = tpu.matmul %convert_element_type3A_87, %get3A_90, %dot_general3A_91 {dimension_numbers = #tpu.dot_dimension_numbers<[1], [1], [0], [0], [0, 0, 1, 0], [], []>, transpose_lhs_hint = false} : vector<256x512xbf16>, vector<1024x512xbf16>, vector<256x1024xf32> -> vector<256x1024xf32>
      %sub3A_93 = arith.constant 2 : i32
      %sub3A_94 = arith.subi %while3A_50, %sub3A_93 : i32
      %ge3A = arith.cmpi sge, %sub3A_94, %get3A_25 : i32
      %convert_element_type3A_95 = arith.extui %ge3A : i1 to i32
      %cond3A_96 = arith.constant 0 : i32
      %cond3A_97 = arith.cmpi ne, %convert_element_type3A_95, %cond3A_96 : i32
      scf.if %cond3A_97 {
        %sub3A_113 = arith.constant 2 : i32
        %sub3A_114 = arith.subi %while3A_50, %sub3A_113 : i32
        %mul3A_115 = arith.constant 256 : i32
        %mul3A_116 = arith.muli %sub3A_114, %mul3A_115 : i32
        %dma_wait3A_117 = tpu.memref_slice %arg12[%rem3A_51] : memref<2x!tpu.dma_semaphore, #tpu.memory_space<semaphore_mem>> -> memref<1x!tpu.dma_semaphore, #tpu.memory_space<semaphore_mem>>
        %dma_wait3A_118 = tpu.memref_squeeze %dma_wait3A_117 : memref<1x!tpu.dma_semaphore, #tpu.memory_space<semaphore_mem>> -> memref<!tpu.dma_semaphore, #tpu.memory_space<semaphore_mem>>
        %dma_wait3A_119 = arith.constant 0 : i32
        %dma_wait3A_120 = tpu.memref_slice %arg6[%mul3A_116, %dma_wait3A_119] : memref<8192x1024xf32, #tpu.memory_space<hbm>> -> memref<256x1024xf32, #tpu.memory_space<hbm>>
        %dma_wait3A_121 = arith.constant 0 : i32
        %dma_wait3A_122 = arith.constant 0 : i32
        %dma_wait3A_123 = tpu.memref_slice %arg8[%rem3A_51, %dma_wait3A_121, %dma_wait3A_122] : memref<2x256x1024xf32, #tpu.memory_space<vmem>> -> memref<1x256x1024xf32, #tpu.memory_space<vmem>>
        %dma_wait3A_124 = tpu.memref_squeeze %dma_wait3A_123 : memref<1x256x1024xf32, #tpu.memory_space<vmem>> -> memref<256x1024xf32, #tpu.memory_space<vmem>>
        tpu.wait_dma2 semaphore(%dma_wait3A_118 : memref<!tpu.dma_semaphore, #tpu.memory_space<semaphore_mem>>) src(%dma_wait3A_124 : memref<256x1024xf32, #tpu.memory_space<vmem>>) dst(%dma_wait3A_120 : memref<256x1024xf32, #tpu.memory_space<hbm>>)
      } else {
      }
      %swap3A_98 = arith.index_cast %rem3A_51 : i32 to index
      %swap3A_99 = arith.constant 0 : index
      %swap3A_100 = arith.constant 0 : index
      %swap3A_101 = vector.load %arg8[%swap3A_98, %swap3A_99, %swap3A_100] : memref<2x256x1024xf32, #tpu.memory_space<vmem>>, vector<1x256x1024xf32>
      %swap3A_102 = vector.shape_cast %swap3A_101 : vector<1x256x1024xf32> to vector<256x1024xf32>
      %swap3A_103 = vector.shape_cast %dot_general3A_92 : vector<256x1024xf32> to vector<1x256x1024xf32>
      tpu.vector_store %arg8[%swap3A_98, %swap3A_99, %swap3A_100], %swap3A_103 {strides = array<i32>} : memref<2x256x1024xf32, #tpu.memory_space<vmem>>, vector<1x256x1024xf32>,
      %mul3A_104 = arith.constant 256 : i32
      %mul3A_105 = arith.muli %while3A_50, %mul3A_104 : i32
      %dma_start3A = tpu.memref_slice %arg12[%rem3A_51] : memref<2x!tpu.dma_semaphore, #tpu.memory_space<semaphore_mem>> -> memref<1x!tpu.dma_semaphore, #tpu.memory_space<semaphore_mem>>
      %dma_start3A_106 = tpu.memref_squeeze %dma_start3A : memref<1x!tpu.dma_semaphore, #tpu.memory_space<semaphore_mem>> -> memref<!tpu.dma_semaphore, #tpu.memory_space<semaphore_mem>>
      %dma_start3A_107 = arith.constant 0 : i32
      %dma_start3A_108 = tpu.memref_slice %arg6[%mul3A_105, %dma_start3A_107] : memref<8192x1024xf32, #tpu.memory_space<hbm>> -> memref<256x1024xf32, #tpu.memory_space<hbm>>
      %dma_start3A_109 = arith.constant 0 : i32
      %dma_start3A_110 = arith.constant 0 : i32
      %dma_start3A_111 = tpu.memref_slice %arg8[%rem3A_51, %dma_start3A_109, %dma_start3A_110] : memref<2x256x1024xf32, #tpu.memory_space<vmem>> -> memref<1x256x1024xf32, #tpu.memory_space<vmem>>
      %dma_start3A_112 = tpu.memref_squeeze %dma_start3A_111 : memref<1x256x1024xf32, #tpu.memory_space<vmem>> -> memref<256x1024xf32, #tpu.memory_space<vmem>>
      tpu.enqueue_dma source(%dma_start3A_112 : memref<256x1024xf32, #tpu.memory_space<vmem>>) target(%dma_start3A_108 : memref<256x1024xf32, #tpu.memory_space<hbm>>) target_semaphore(%dma_start3A_106 : memref<!tpu.dma_semaphore, #tpu.memory_space<semaphore_mem>>)
    }
    %gt3A_40 = arith.constant 0 : i32
    %gt3A_41 = arith.cmpi sgt, %sub3A, %gt3A_40 : i32
    %convert_element_type3A_42 = arith.extui %gt3A_41 : i1 to i32
    %cond3A_43 = arith.constant 0 : i32
    %cond3A_44 = arith.cmpi ne, %convert_element_type3A_42, %cond3A_43 : i32
    scf.if %cond3A_44 {
      %sub3A_50 = arith.constant 1 : i32
      %sub3A_51 = arith.subi %get3A_28, %sub3A_50 : i32
      %rem3A = arith.constant 2 : i32
      %rem3A_52 = arith.remsi %sub3A_51, %rem3A : i32
      %sub3A_53 = arith.constant 1 : i32
      %sub3A_54 = arith.subi %get3A_28, %sub3A_53 : i32
      %mul3A = arith.constant 256 : i32
      %mul3A_55 = arith.muli %sub3A_54, %mul3A : i32
      %sub3A_56 = arith.constant 1 : i32
      %sub3A_57 = arith.subi %get3A_28, %sub3A_56 : i32
      %rem3A_58 = arith.constant 2 : i32
      %rem3A_59 = arith.remsi %sub3A_57, %rem3A_58 : i32
      %dma_wait3A = tpu.memref_slice %arg12[%rem3A_59] : memref<2x!tpu.dma_semaphore, #tpu.memory_space<semaphore_mem>> -> memref<1x!tpu.dma_semaphore, #tpu.memory_space<semaphore_mem>>
      %dma_wait3A_60 = tpu.memref_squeeze %dma_wait3A : memref<1x!tpu.dma_semaphore, #tpu.memory_space<semaphore_mem>> -> memref<!tpu.dma_semaphore, #tpu.memory_space<semaphore_mem>>
      %dma_wait3A_61 = arith.constant 0 : i32
      %dma_wait3A_62 = tpu.memref_slice %arg6[%mul3A_55, %dma_wait3A_61] : memref<8192x1024xf32, #tpu.memory_space<hbm>> -> memref<256x1024xf32, #tpu.memory_space<hbm>>
      %dma_wait3A_63 = arith.constant 0 : i32
      %dma_wait3A_64 = arith.constant 0 : i32
      %dma_wait3A_65 = tpu.memref_slice %arg8[%rem3A_52, %dma_wait3A_63, %dma_wait3A_64] : memref<2x256x1024xf32, #tpu.memory_space<vmem>> -> memref<1x256x1024xf32, #tpu.memory_space<vmem>>
      %dma_wait3A_66 = tpu.memref_squeeze %dma_wait3A_65 : memref<1x256x1024xf32, #tpu.memory_space<vmem>> -> memref<256x1024xf32, #tpu.memory_space<vmem>>
      tpu.wait_dma2 semaphore(%dma_wait3A_60 : memref<!tpu.dma_semaphore, #tpu.memory_space<semaphore_mem>>) src(%dma_wait3A_66 : memref<256x1024xf32, #tpu.memory_space<vmem>>) dst(%dma_wait3A_62 : memref<256x1024xf32, #tpu.memory_space<hbm>>)
    } else {
    }
    %gt3A_45 = arith.constant 1 : i32
    %gt3A_46 = arith.cmpi sgt, %sub3A, %gt3A_45 : i32
    %convert_element_type3A_47 = arith.extui %gt3A_46 : i1 to i32
    %cond3A_48 = arith.constant 0 : i32
    %cond3A_49 = arith.cmpi ne, %convert_element_type3A_47, %cond3A_48 : i32
    scf.if %cond3A_49 {
      %sub3A_50 = arith.constant 2 : i32
      %sub3A_51 = arith.subi %get3A_28, %sub3A_50 : i32
      %rem3A = arith.constant 2 : i32
      %rem3A_52 = arith.remsi %sub3A_51, %rem3A : i32
      %sub3A_53 = arith.constant 2 : i32
      %sub3A_54 = arith.subi %get3A_28, %sub3A_53 : i32
      %mul3A = arith.constant 256 : i32
      %mul3A_55 = arith.muli %sub3A_54, %mul3A : i32
      %sub3A_56 = arith.constant 2 : i32
      %sub3A_57 = arith.subi %get3A_28, %sub3A_56 : i32
      %rem3A_58 = arith.constant 2 : i32
      %rem3A_59 = arith.remsi %sub3A_57, %rem3A_58 : i32
      %dma_wait3A = tpu.memref_slice %arg12[%rem3A_59] : memref<2x!tpu.dma_semaphore, #tpu.memory_space<semaphore_mem>> -> memref<1x!tpu.dma_semaphore, #tpu.memory_space<semaphore_mem>>
      %dma_wait3A_60 = tpu.memref_squeeze %dma_wait3A : memref<1x!tpu.dma_semaphore, #tpu.memory_space<semaphore_mem>> -> memref<!tpu.dma_semaphore, #tpu.memory_space<semaphore_mem>>
      %dma_wait3A_61 = arith.constant 0 : i32
      %dma_wait3A_62 = tpu.memref_slice %arg6[%mul3A_55, %dma_wait3A_61] : memref<8192x1024xf32, #tpu.memory_space<hbm>> -> memref<256x1024xf32, #tpu.memory_space<hbm>>
      %dma_wait3A_63 = arith.constant 0 : i32
      %dma_wait3A_64 = arith.constant 0 : i32
      %dma_wait3A_65 = tpu.memref_slice %arg8[%rem3A_52, %dma_wait3A_63, %dma_wait3A_64] : memref<2x256x1024xf32, #tpu.memory_space<vmem>> -> memref<1x256x1024xf32, #tpu.memory_space<vmem>>
      %dma_wait3A_66 = tpu.memref_squeeze %dma_wait3A_65 : memref<1x256x1024xf32, #tpu.memory_space<vmem>> -> memref<256x1024xf32, #tpu.memory_space<vmem>>
      tpu.wait_dma2 semaphore(%dma_wait3A_60 : memref<!tpu.dma_semaphore, #tpu.memory_space<semaphore_mem>>) src(%dma_wait3A_66 : memref<256x1024xf32, #tpu.memory_space<vmem>>) dst(%dma_wait3A_62 : memref<256x1024xf32, #tpu.memory_space<hbm>>)
    } else {
    }
    return
  }
  func.func @transform_1(%arg0: i32, %arg1: memref<17xi32, #tpu.memory_space<smem>>) -> (i32, i32, i32) {
    %c0_i32 = arith.constant 0 : i32
    %c0_i32_0 = arith.constant 0 : i32
    %c0_i32_1 = arith.constant 0 : i32
    return %arg0, %c0_i32, %c0_i32_0 : i32, i32, i32
  }
  func.func @transform_2(%arg0: i32, %arg1: memref<17xi32, #tpu.memory_space<smem>>) -> (i32, i32, i32) {
    %c0_i32 = arith.constant 0 : i32
    %c0_i32_0 = arith.constant 0 : i32
    %c0_i32_1 = arith.constant 0 : i32
    return %arg0, %c0_i32, %c0_i32_0 : i32, i32, i32
  }
  func.func @transform_3(%arg0: i32, %arg1: memref<17xi32, #tpu.memory_space<smem>>) -> (i32, i32, i32) {
    %c0_i32 = arith.constant 0 : i32
    %c0_i32_0 = arith.constant 0 : i32
    %c0_i32_1 = arith.constant 0 : i32
    return %arg0, %c0_i32, %c0_i32_0 : i32, i32, i32
  }
}

module attributes {stable_mosaic.version = 14 : i64} {
  func.func @_combine_body(%arg0: i32, %arg1: memref<256x1024xf32, #tpu.memory_space<vmem>>, %arg2: memref<256x1024xf32, #tpu.memory_space<vmem>>, %arg3: memref<256x1xf32, #tpu.memory_space<vmem>>, %arg4: memref<256x1xf32, #tpu.memory_space<vmem>>, %arg5: memref<256x1024xf32, #tpu.memory_space<vmem>>) attributes {dimension_semantics = [#tpu.dimension_semantics<arbitrary>], iteration_bounds = array<i64: 8>, scalar_prefetch = 0 : i64, scratch_operands = 0 : i64, tpu.core_type = #tpu.core_type<tc>, window_params = [{transform_indices = @transform_0, window_bounds = array<i64: 256, 1024>}, {transform_indices = @transform_1, window_bounds = array<i64: 256, 1024>}, {transform_indices = @transform_2, window_bounds = array<i64: 256, 1>}, {transform_indices = @transform_3, window_bounds = array<i64: 256, 1>}, {transform_indices = @transform_4, window_bounds = array<i64: 256, 1024>}]} {
    %get3A = arith.constant 0 : index
    %get3A_0 = arith.constant 0 : index
    %get3A_1 = vector.load %arg3[%get3A, %get3A_0] : memref<256x1xf32, #tpu.memory_space<vmem>>, vector<256x1xf32>
    %get3A_2 = arith.constant 0 : index
    %get3A_3 = arith.constant 0 : index
    %get3A_4 = vector.load %arg1[%get3A_2, %get3A_3] : memref<256x1024xf32, #tpu.memory_space<vmem>>, vector<256x1024xf32>
    %mul3A = vector.broadcast %get3A_1 : vector<256x1xf32> to vector<256x1024xf32>
    %mul3A_5 = arith.mulf %mul3A, %get3A_4 : vector<256x1024xf32>
    %get3A_6 = arith.constant 0 : index
    %get3A_7 = arith.constant 0 : index
    %get3A_8 = vector.load %arg4[%get3A_6, %get3A_7] : memref<256x1xf32, #tpu.memory_space<vmem>>, vector<256x1xf32>
    %get3A_9 = arith.constant 0 : index
    %get3A_10 = arith.constant 0 : index
    %get3A_11 = vector.load %arg2[%get3A_9, %get3A_10] : memref<256x1024xf32, #tpu.memory_space<vmem>>, vector<256x1024xf32>
    %mul3A_12 = vector.broadcast %get3A_8 : vector<256x1xf32> to vector<256x1024xf32>
    %mul3A_13 = arith.mulf %mul3A_12, %get3A_11 : vector<256x1024xf32>
    %add3A = arith.addf %mul3A_5, %mul3A_13 : vector<256x1024xf32>
    %swap3A = arith.constant 0 : index
    %swap3A_14 = arith.constant 0 : index
    %swap3A_15 = vector.load %arg5[%swap3A, %swap3A_14] : memref<256x1024xf32, #tpu.memory_space<vmem>>, vector<256x1024xf32>
    tpu.vector_store %arg5[%swap3A, %swap3A_14], %add3A {strides = array<i32>} : memref<256x1024xf32, #tpu.memory_space<vmem>>, vector<256x1024xf32>,
    return
  }
  func.func @transform_0(%arg0: i32) -> (i32, i32) {
    %c0_i32 = arith.constant 0 : i32
    %c0_i32_0 = arith.constant 0 : i32
    return %arg0, %c0_i32 : i32, i32
  }
  func.func @transform_1(%arg0: i32) -> (i32, i32) {
    %c0_i32 = arith.constant 0 : i32
    %c0_i32_0 = arith.constant 0 : i32
    return %arg0, %c0_i32 : i32, i32
  }
  func.func @transform_2(%arg0: i32) -> (i32, i32) {
    %c0_i32 = arith.constant 0 : i32
    %c0_i32_0 = arith.constant 0 : i32
    return %arg0, %c0_i32 : i32, i32
  }
  func.func @transform_3(%arg0: i32) -> (i32, i32) {
    %c0_i32 = arith.constant 0 : i32
    %c0_i32_0 = arith.constant 0 : i32
    return %arg0, %c0_i32 : i32, i32
  }
  func.func @transform_4(%arg0: i32) -> (i32, i32) {
    %c0_i32 = arith.constant 0 : i32
    %c0_i32_0 = arith.constant 0 : i32
    return %arg0, %c0_i32 : i32, i32
  }
}

module attributes {stable_mosaic.version = 14 : i64} {
  func.func @_routing_body(%arg0: memref<2048x1024xf32, #tpu.memory_space<vmem>>, %arg1: memref<2048x8xf32, #tpu.memory_space<vmem>>, %arg2: memref<16x1024xf32, #tpu.memory_space<vmem>>, %arg3: memref<256x1024xf32, #tpu.memory_space<vmem>>, %arg4: memref<1x256xf32, #tpu.memory_space<vmem>>, %arg5: memref<8x256xf32, #tpu.memory_space<vmem>>, %arg6: memref<1x8xf32, #tpu.memory_space<vmem>>, %arg7: memref<8x16xf32, #tpu.memory_space<vmem>>, %arg8: memref<2048x1xf32, #tpu.memory_space<vmem>>, %arg9: memref<2048x1xf32, #tpu.memory_space<vmem>>, %arg10: memref<2048x1xi32, #tpu.memory_space<vmem>>, %arg11: memref<2048x1xi32, #tpu.memory_space<vmem>>, %arg12: memref<17x1xi32, #tpu.memory_space<vmem>>) attributes {dimension_semantics = [], scalar_prefetch = 0 : i64, scratch_operands = 0 : i64, tpu.core_type = #tpu.core_type<tc>} {
    %get3A = arith.constant 0 : index
    %get3A_0 = arith.constant 0 : index
    %get3A_1 = vector.load %arg0[%get3A, %get3A_0] : memref<2048x1024xf32, #tpu.memory_space<vmem>>, vector<2048x1024xf32>
    %get3A_2 = arith.constant 0 : index
    %get3A_3 = arith.constant 0 : index
    %get3A_4 = vector.load %arg2[%get3A_2, %get3A_3] : memref<16x1024xf32, #tpu.memory_space<vmem>>, vector<16x1024xf32>
    %dot_general3A = arith.constant dense<0.000000e+00> : vector<2048x16xf32>
    %dot_general3A_5 = tpu.matmul %get3A_1, %get3A_4, %dot_general3A {dimension_numbers = #tpu.dot_dimension_numbers<[1], [1], [0], [0], [0, 0, 1, 0], [], []>, transpose_lhs_hint = false} : vector<2048x1024xf32>, vector<16x1024xf32>, vector<2048x16xf32> -> vector<2048x16xf32>
    %get3A_6 = arith.constant 0 : index
    %get3A_7 = arith.constant 0 : index
    %get3A_8 = vector.load %arg3[%get3A_6, %get3A_7] : memref<256x1024xf32, #tpu.memory_space<vmem>>, vector<256x1024xf32>
    %dot_general3A_9 = arith.constant dense<0.000000e+00> : vector<2048x256xf32>
    %dot_general3A_10 = tpu.matmul %get3A_1, %get3A_8, %dot_general3A_9 {dimension_numbers = #tpu.dot_dimension_numbers<[1], [1], [0], [0], [0, 0, 1, 0], [], []>, transpose_lhs_hint = false} : vector<2048x1024xf32>, vector<256x1024xf32>, vector<2048x256xf32> -> vector<2048x256xf32>
    %get3A_11 = arith.constant 0 : index
    %get3A_12 = arith.constant 0 : index
    %get3A_13 = vector.load %arg4[%get3A_11, %get3A_12] : memref<1x256xf32, #tpu.memory_space<vmem>>, vector<1x256xf32>
    %add3A = vector.broadcast %get3A_13 : vector<1x256xf32> to vector<2048x256xf32>
    %add3A_14 = arith.addf %dot_general3A_10, %add3A : vector<2048x256xf32>
    %logistic3A = arith.negf %add3A_14 : vector<2048x256xf32>
    %logistic3A_15 = math.exp %logistic3A : vector<2048x256xf32>
    %logistic3A_16 = arith.constant 1.000000e+00 : f32
    %logistic3A_17 = vector.broadcast %logistic3A_16 : f32 to vector<2048x256xf32>
    %logistic3A_18 = arith.addf %logistic3A_17, %logistic3A_15 : vector<2048x256xf32>
    %logistic3A_19 = arith.divf %logistic3A_17, %logistic3A_18 : vector<2048x256xf32>
    %mul3A = arith.mulf %add3A_14, %logistic3A_19 : vector<2048x256xf32>
    %get3A_20 = arith.constant 0 : index
    %get3A_21 = arith.constant 0 : index
    %get3A_22 = vector.load %arg5[%get3A_20, %get3A_21] : memref<8x256xf32, #tpu.memory_space<vmem>>, vector<8x256xf32>
    %dot_general3A_23 = arith.constant dense<0.000000e+00> : vector<2048x8xf32>
    %dot_general3A_24 = tpu.matmul %mul3A, %get3A_22, %dot_general3A_23 {dimension_numbers = #tpu.dot_dimension_numbers<[1], [1], [0], [0], [0, 0, 1, 0], [], []>, transpose_lhs_hint = false} : vector<2048x256xf32>, vector<8x256xf32>, vector<2048x8xf32> -> vector<2048x8xf32>
    %get3A_25 = arith.constant 0 : index
    %get3A_26 = arith.constant 0 : index
    %get3A_27 = vector.load %arg6[%get3A_25, %get3A_26] : memref<1x8xf32, #tpu.memory_space<vmem>>, vector<1x8xf32>
    %add3A_28 = vector.broadcast %get3A_27 : vector<1x8xf32> to vector<2048x8xf32>
    %add3A_29 = arith.addf %dot_general3A_24, %add3A_28 : vector<2048x8xf32>
    %get3A_30 = arith.constant 0 : index
    %get3A_31 = arith.constant 0 : index
    %get3A_32 = vector.load %arg1[%get3A_30, %get3A_31] : memref<2048x8xf32, #tpu.memory_space<vmem>>, vector<2048x8xf32>
    %log3A = math.log %get3A_32 : vector<2048x8xf32>
    %neg3A = arith.constant 0.000000e+00 : f32
    %neg3A_33 = vector.broadcast %neg3A : f32 to vector<2048x8xf32>
    %neg3A_34 = arith.subf %neg3A_33, %log3A : vector<2048x8xf32>
    %log3A_35 = math.log %neg3A_34 : vector<2048x8xf32>
    %neg3A_36 = arith.constant 0.000000e+00 : f32
    %neg3A_37 = vector.broadcast %neg3A_36 : f32 to vector<2048x8xf32>
    %neg3A_38 = arith.subf %neg3A_37, %log3A_35 : vector<2048x8xf32>
    %add3A_39 = arith.addf %add3A_29, %neg3A_38 : vector<2048x8xf32>
    %iota3A = tpu.iota {dimensions = array<i32: 1>} : vector<2048x8xi32>
    %reduce_max3A = arith.constant dense<0xFF800000> : vector<2048xf32>
    %reduce_max3A_40 = vector.multi_reduction <maximumf>, %add3A_39, %reduce_max3A [1] : vector<2048x8xf32> to vector<2048xf32>
    %broadcast_in_dim3A = vector.shape_cast %reduce_max3A_40 : vector<2048xf32> to vector<2048x1xf32>
    %ge3A = vector.broadcast %broadcast_in_dim3A : vector<2048x1xf32> to vector<2048x8xf32>
    %ge3A_41 = arith.cmpf oge, %add3A_39, %ge3A : vector<2048x8xf32>
    %jit3A = arith.constant 8 : i32
    %broadcast_in_dim3A_42 = vector.broadcast %jit3A : i32 to vector<2048x8xi32>
    %select_n3A = arith.select %ge3A_41, %iota3A, %broadcast_in_dim3A_42 : vector<2048x8xi1>, vector<2048x8xi32>
    %reduce_min3A = arith.constant dense<2147483647> : vector<2048xi32>
    %reduce_min3A_43 = vector.multi_reduction <minsi>, %select_n3A, %reduce_min3A [1] : vector<2048x8xi32> to vector<2048xi32>
    %broadcast_in_dim3A_44 = vector.shape_cast %reduce_min3A_43 : vector<2048xi32> to vector<2048x1xi32>
    %eq3A = vector.broadcast %broadcast_in_dim3A_44 : vector<2048x1xi32> to vector<2048x8xi32>
    %eq3A_45 = arith.cmpi eq, %iota3A, %eq3A : vector<2048x8xi32>
    %jit3A_46 = arith.constant 1.000000e+00 : f32
    %jit3A_47 = arith.constant 0.000000e+00 : f32
    %broadcast_in_dim3A_48 = vector.broadcast %jit3A_46 : f32 to vector<2048x8xf32>
    %broadcast_in_dim3A_49 = vector.broadcast %jit3A_47 : f32 to vector<2048x8xf32>
    %select_n3A_50 = arith.select %eq3A_45, %broadcast_in_dim3A_48, %broadcast_in_dim3A_49 : vector<2048x8xi1>, vector<2048x8xf32>
    %get3A_51 = arith.constant 0 : index
    %get3A_52 = arith.constant 0 : index
    %get3A_53 = vector.load %arg7[%get3A_51, %get3A_52] : memref<8x16xf32, #tpu.memory_space<vmem>>, vector<8x16xf32>
    %dot_general3A_54 = arith.constant dense<0.000000e+00> : vector<2048x16xf32>
    %dot_general3A_55 = tpu.matmul %select_n3A_50, %get3A_53, %dot_general3A_54 {dimension_numbers = #tpu.dot_dimension_numbers<[1], [0], [0], [1], [0, 0, 1, 1], [], []>, transpose_lhs_hint = false} : vector<2048x8xf32>, vector<8x16xf32>, vector<2048x16xf32> -> vector<2048x16xf32>
    %add3A_56 = arith.addf %dot_general3A_5, %dot_general3A_55 : vector<2048x16xf32>
    %reduce_max3A_57 = arith.constant dense<0xFF800000> : vector<2048xf32>
    %reduce_max3A_58 = vector.multi_reduction <maximumf>, %add3A_56, %reduce_max3A_57 [1] : vector<2048x16xf32> to vector<2048xf32>
    %broadcast_in_dim3A_59 = vector.shape_cast %reduce_max3A_58 : vector<2048xf32> to vector<2048x1xf32>
    %sub3A = vector.broadcast %broadcast_in_dim3A_59 : vector<2048x1xf32> to vector<2048x16xf32>
    %sub3A_60 = arith.subf %add3A_56, %sub3A : vector<2048x16xf32>
    %exp3A = math.exp %sub3A_60 : vector<2048x16xf32>
    %reduce_sum3A = arith.constant dense<0.000000e+00> : vector<2048xf32>
    %reduce_sum3A_61 = vector.multi_reduction <add>, %exp3A, %reduce_sum3A [1] : vector<2048x16xf32> to vector<2048xf32>
    %broadcast_in_dim3A_62 = vector.shape_cast %reduce_sum3A_61 : vector<2048xf32> to vector<2048x1xf32>
    %div3A = vector.broadcast %broadcast_in_dim3A_62 : vector<2048x1xf32> to vector<2048x16xf32>
    %div3A_63 = arith.divf %exp3A, %div3A : vector<2048x16xf32>
    %iota3A_64 = tpu.iota {dimensions = array<i32: 1>} : vector<2048x16xi32>
    %reduce_max3A_65 = arith.constant dense<0xFF800000> : vector<2048xf32>
    %reduce_max3A_66 = vector.multi_reduction <maximumf>, %div3A_63, %reduce_max3A_65 [1] : vector<2048x16xf32> to vector<2048xf32>
    %broadcast_in_dim3A_67 = vector.shape_cast %reduce_max3A_66 : vector<2048xf32> to vector<2048x1xf32>
    %ge3A_68 = vector.broadcast %broadcast_in_dim3A_67 : vector<2048x1xf32> to vector<2048x16xf32>
    %ge3A_69 = arith.cmpf oge, %div3A_63, %ge3A_68 : vector<2048x16xf32>
    %jit3A_70 = arith.constant 16 : i32
    %broadcast_in_dim3A_71 = vector.broadcast %jit3A_70 : i32 to vector<2048x16xi32>
    %select_n3A_72 = arith.select %ge3A_69, %iota3A_64, %broadcast_in_dim3A_71 : vector<2048x16xi1>, vector<2048x16xi32>
    %reduce_min3A_73 = arith.constant dense<2147483647> : vector<2048xi32>
    %reduce_min3A_74 = vector.multi_reduction <minsi>, %select_n3A_72, %reduce_min3A_73 [1] : vector<2048x16xi32> to vector<2048xi32>
    %broadcast_in_dim3A_75 = vector.shape_cast %reduce_min3A_74 : vector<2048xi32> to vector<2048x1xi32>
    %eq3A_76 = vector.broadcast %broadcast_in_dim3A_75 : vector<2048x1xi32> to vector<2048x16xi32>
    %eq3A_77 = arith.cmpi eq, %iota3A_64, %eq3A_76 : vector<2048x16xi32>
    %jit3A_78 = arith.constant -1.000000e+00 : f32
    %broadcast_in_dim3A_79 = vector.broadcast %jit3A_78 : f32 to vector<2048x16xf32>
    %select_n3A_80 = arith.select %eq3A_77, %broadcast_in_dim3A_79, %div3A_63 : vector<2048x16xi1>, vector<2048x16xf32>
    %reduce_max3A_81 = arith.constant dense<0xFF800000> : vector<2048xf32>
    %reduce_max3A_82 = vector.multi_reduction <maximumf>, %select_n3A_80, %reduce_max3A_81 [1] : vector<2048x16xf32> to vector<2048xf32>
    %broadcast_in_dim3A_83 = vector.shape_cast %reduce_max3A_82 : vector<2048xf32> to vector<2048x1xf32>
    %ge3A_84 = vector.broadcast %broadcast_in_dim3A_83 : vector<2048x1xf32> to vector<2048x16xf32>
    %ge3A_85 = arith.cmpf oge, %select_n3A_80, %ge3A_84 : vector<2048x16xf32>
    %jit3A_86 = arith.constant 16 : i32
    %broadcast_in_dim3A_87 = vector.broadcast %jit3A_86 : i32 to vector<2048x16xi32>
    %select_n3A_88 = arith.select %ge3A_85, %iota3A_64, %broadcast_in_dim3A_87 : vector<2048x16xi1>, vector<2048x16xi32>
    %reduce_min3A_89 = arith.constant dense<2147483647> : vector<2048xi32>
    %reduce_min3A_90 = vector.multi_reduction <minsi>, %select_n3A_88, %reduce_min3A_89 [1] : vector<2048x16xi32> to vector<2048xi32>
    %broadcast_in_dim3A_91 = vector.shape_cast %reduce_min3A_90 : vector<2048xi32> to vector<2048x1xi32>
    %swap3A = arith.constant 0 : index
    %swap3A_92 = arith.constant 0 : index
    %swap3A_93 = vector.load %arg8[%swap3A, %swap3A_92] : memref<2048x1xf32, #tpu.memory_space<vmem>>, vector<2048x1xf32>
    tpu.vector_store %arg8[%swap3A, %swap3A_92], %broadcast_in_dim3A_67 {strides = array<i32>} : memref<2048x1xf32, #tpu.memory_space<vmem>>, vector<2048x1xf32>,
    %swap3A_94 = arith.constant 0 : index
    %swap3A_95 = arith.constant 0 : index
    %swap3A_96 = vector.load %arg9[%swap3A_94, %swap3A_95] : memref<2048x1xf32, #tpu.memory_space<vmem>>, vector<2048x1xf32>
    tpu.vector_store %arg9[%swap3A_94, %swap3A_95], %broadcast_in_dim3A_83 {strides = array<i32>} : memref<2048x1xf32, #tpu.memory_space<vmem>>, vector<2048x1xf32>,
    %eq3A_97 = vector.broadcast %broadcast_in_dim3A_75 : vector<2048x1xi32> to vector<2048x16xi32>
    %eq3A_98 = arith.cmpi eq, %iota3A_64, %eq3A_97 : vector<2048x16xi32>
    %convert_element_type3A = arith.extui %eq3A_98 : vector<2048x16xi1> to vector<2048x16xi32>
    %convert_element_type3A_99 = arith.sitofp %convert_element_type3A : vector<2048x16xi32> to vector<2048x16xf32>
    %eq3A_100 = vector.broadcast %broadcast_in_dim3A_91 : vector<2048x1xi32> to vector<2048x16xi32>
    %eq3A_101 = arith.cmpi eq, %iota3A_64, %eq3A_100 : vector<2048x16xi32>
    %convert_element_type3A_102 = arith.extui %eq3A_101 : vector<2048x16xi1> to vector<2048x16xi32>
    %convert_element_type3A_103 = arith.sitofp %convert_element_type3A_102 : vector<2048x16xi32> to vector<2048x16xf32>
    %add3A_104 = arith.addf %convert_element_type3A_99, %convert_element_type3A_103 : vector<2048x16xf32>
    %iota3A_105 = tpu.iota {dimensions = array<i32: 0>} : vector<2048x2048xi32>
    %iota3A_106 = tpu.iota {dimensions = array<i32: 1>} : vector<2048x2048xi32>
    %lt3A = arith.cmpi slt, %iota3A_106, %iota3A_105 : vector<2048x2048xi32>
    %convert_element_type3A_107 = arith.extui %lt3A : vector<2048x2048xi1> to vector<2048x2048xi32>
    %convert_element_type3A_108 = arith.sitofp %convert_element_type3A_107 : vector<2048x2048xi32> to vector<2048x2048xf32>
    %convert_element_type3A_109 = arith.truncf %convert_element_type3A_108 : vector<2048x2048xf32> to vector<2048x2048xbf16>
    %convert_element_type3A_110 = arith.truncf %add3A_104 : vector<2048x16xf32> to vector<2048x16xbf16>
    %dot_general3A_111 = arith.constant dense<0.000000e+00> : vector<2048x16xf32>
    %dot_general3A_112 = tpu.matmul %convert_element_type3A_109, %convert_element_type3A_110, %dot_general3A_111 {dimension_numbers = #tpu.dot_dimension_numbers<[1], [0], [0], [1], [0, 0, 1, 1], [], []>, transpose_lhs_hint = false} : vector<2048x2048xbf16>, vector<2048x16xbf16>, vector<2048x16xf32> -> vector<2048x16xf32>
    %convert_element_type3A_113 = arith.fptosi %dot_general3A_112 : vector<2048x16xf32> to vector<2048x16xi32>
    %reduce_sum3A_114 = arith.constant dense<0.000000e+00> : vector<16xf32>
    %reduce_sum3A_115 = vector.multi_reduction <add>, %add3A_104, %reduce_sum3A_114 [0] : vector<2048x16xf32> to vector<16xf32>
    %broadcast_in_dim3A_116 = vector.shape_cast %reduce_sum3A_115 : vector<16xf32> to vector<1x16xf32>
    %convert_element_type3A_117 = arith.fptosi %broadcast_in_dim3A_116 : vector<1x16xf32> to vector<1x16xi32>
    %add3A_118 = arith.constant 255 : i32
    %add3A_119 = vector.broadcast %add3A_118 : i32 to vector<1x16xi32>
    %add3A_120 = arith.addi %convert_element_type3A_117, %add3A_119 : vector<1x16xi32>
    %jit3A_121 = arith.constant 256 : i32
    %div3A_122 = vector.broadcast %jit3A_121 : i32 to vector<1x16xi32>
    %div3A_123 = arith.divsi %add3A_120, %div3A_122 : vector<1x16xi32>
    %sign3A = arith.constant 0 : i32
    %sign3A_124 = vector.broadcast %sign3A : i32 to vector<1x16xi32>
    %sign3A_125 = arith.cmpi sgt, %add3A_120, %sign3A_124 : vector<1x16xi32>
    %sign3A_126 = arith.extui %sign3A_125 : vector<1x16xi1> to vector<1x16xi32>
    %sign3A_127 = arith.constant 0 : i32
    %sign3A_128 = vector.broadcast %sign3A_127 : i32 to vector<1x16xi32>
    %sign3A_129 = arith.cmpi slt, %add3A_120, %sign3A_128 : vector<1x16xi32>
    %sign3A_130 = arith.extui %sign3A_129 : vector<1x16xi1> to vector<1x16xi32>
    %sign3A_131 = arith.subi %sign3A_126, %sign3A_130 : vector<1x16xi32>
    %sign3A_132 = arith.constant 0 : i32
    %sign3A_133 = arith.cmpi sgt, %jit3A_121, %sign3A_132 : i32
    %sign3A_134 = arith.extui %sign3A_133 : i1 to i32
    %sign3A_135 = arith.constant 0 : i32
    %sign3A_136 = arith.cmpi slt, %jit3A_121, %sign3A_135 : i32
    %sign3A_137 = arith.extui %sign3A_136 : i1 to i32
    %sign3A_138 = arith.subi %sign3A_134, %sign3A_137 : i32
    %ne3A = vector.broadcast %sign3A_138 : i32 to vector<1x16xi32>
    %ne3A_139 = arith.cmpi ne, %sign3A_131, %ne3A : vector<1x16xi32>
    %rem3A = vector.broadcast %jit3A_121 : i32 to vector<1x16xi32>
    %rem3A_140 = arith.remsi %add3A_120, %rem3A : vector<1x16xi32>
    %ne3A_141 = arith.constant 0 : i32
    %ne3A_142 = vector.broadcast %ne3A_141 : i32 to vector<1x16xi32>
    %ne3A_143 = arith.cmpi ne, %rem3A_140, %ne3A_142 : vector<1x16xi32>
    %and3A = arith.andi %ne3A_139, %ne3A_143 : vector<1x16xi1>
    %sub3A_144 = arith.constant 1 : i32
    %sub3A_145 = vector.broadcast %sub3A_144 : i32 to vector<1x16xi32>
    %sub3A_146 = arith.subi %div3A_123, %sub3A_145 : vector<1x16xi32>
    %select_n3A_147 = arith.select %and3A, %sub3A_146, %div3A_123 : vector<1x16xi1>, vector<1x16xi32>
    %mul3A_148 = arith.constant 256 : i32
    %mul3A_149 = vector.broadcast %mul3A_148 : i32 to vector<1x16xi32>
    %mul3A_150 = arith.muli %select_n3A_147, %mul3A_149 : vector<1x16xi32>
    %iota3A_151 = tpu.iota {dimensions = array<i32: 0>} : vector<16x16xi32>
    %iota3A_152 = tpu.iota {dimensions = array<i32: 1>} : vector<16x16xi32>
    %reshape3A = vector.shape_cast %mul3A_150 : vector<1x16xi32> to vector<16x1xi32>
    %broadcast_in_dim3A_153 = vector.shape_cast %reshape3A : vector<16x1xi32> to vector<16x1xi32>
    %broadcast_in_dim3A_154 = vector.broadcast %broadcast_in_dim3A_153 : vector<16x1xi32> to vector<16x16xi32>
    %lt3A_155 = arith.cmpi slt, %iota3A_151, %iota3A_152 : vector<16x16xi32>
    %jit3A_156 = arith.constant 0 : i32
    %broadcast_in_dim3A_157 = vector.broadcast %jit3A_156 : i32 to vector<16x16xi32>
    %select_n3A_158 = arith.select %lt3A_155, %broadcast_in_dim3A_154, %broadcast_in_dim3A_157 : vector<16x16xi1>, vector<16x16xi32>
    %reduce_sum3A_159 = arith.constant dense<0> : vector<16xi32>
    %reduce_sum3A_160 = vector.multi_reduction <add>, %select_n3A_158, %reduce_sum3A_159 [0] : vector<16x16xi32> to vector<16xi32>
    %broadcast_in_dim3A_161 = vector.shape_cast %reduce_sum3A_160 : vector<16xi32> to vector<1x16xi32>
    %eq3A_162 = vector.broadcast %broadcast_in_dim3A_75 : vector<2048x1xi32> to vector<2048x16xi32>
    %eq3A_163 = arith.cmpi eq, %iota3A_64, %eq3A_162 : vector<2048x16xi32>
    %add3A_164 = vector.broadcast %broadcast_in_dim3A_161 : vector<1x16xi32> to vector<2048x16xi32>
    %add3A_165 = arith.addi %add3A_164, %convert_element_type3A_113 : vector<2048x16xi32>
    %jit3A_166 = arith.constant 0 : i32
    %broadcast_in_dim3A_167 = vector.broadcast %jit3A_166 : i32 to vector<2048x16xi32>
    %select_n3A_168 = arith.select %eq3A_163, %add3A_165, %broadcast_in_dim3A_167 : vector<2048x16xi1>, vector<2048x16xi32>
    %reduce_sum3A_169 = arith.constant dense<0> : vector<2048xi32>
    %reduce_sum3A_170 = vector.multi_reduction <add>, %select_n3A_168, %reduce_sum3A_169 [1] : vector<2048x16xi32> to vector<2048xi32>
    %broadcast_in_dim3A_171 = vector.shape_cast %reduce_sum3A_170 : vector<2048xi32> to vector<2048x1xi32>
    %eq3A_172 = vector.broadcast %broadcast_in_dim3A_91 : vector<2048x1xi32> to vector<2048x16xi32>
    %eq3A_173 = arith.cmpi eq, %iota3A_64, %eq3A_172 : vector<2048x16xi32>
    %add3A_174 = vector.broadcast %broadcast_in_dim3A_161 : vector<1x16xi32> to vector<2048x16xi32>
    %add3A_175 = arith.addi %add3A_174, %convert_element_type3A_113 : vector<2048x16xi32>
    %jit3A_176 = arith.constant 0 : i32
    %broadcast_in_dim3A_177 = vector.broadcast %jit3A_176 : i32 to vector<2048x16xi32>
    %select_n3A_178 = arith.select %eq3A_173, %add3A_175, %broadcast_in_dim3A_177 : vector<2048x16xi1>, vector<2048x16xi32>
    %reduce_sum3A_179 = arith.constant dense<0> : vector<2048xi32>
    %reduce_sum3A_180 = vector.multi_reduction <add>, %select_n3A_178, %reduce_sum3A_179 [1] : vector<2048x16xi32> to vector<2048xi32>
    %broadcast_in_dim3A_181 = vector.shape_cast %reduce_sum3A_180 : vector<2048xi32> to vector<2048x1xi32>
    %swap3A_182 = arith.constant 0 : index
    %swap3A_183 = arith.constant 0 : index
    %swap3A_184 = vector.load %arg10[%swap3A_182, %swap3A_183] : memref<2048x1xi32, #tpu.memory_space<vmem>>, vector<2048x1xi32>
    tpu.vector_store %arg10[%swap3A_182, %swap3A_183], %broadcast_in_dim3A_171 {strides = array<i32>} : memref<2048x1xi32, #tpu.memory_space<vmem>>, vector<2048x1xi32>,
    %swap3A_185 = arith.constant 0 : index
    %swap3A_186 = arith.constant 0 : index
    %swap3A_187 = vector.load %arg11[%swap3A_185, %swap3A_186] : memref<2048x1xi32, #tpu.memory_space<vmem>>, vector<2048x1xi32>
    tpu.vector_store %arg11[%swap3A_185, %swap3A_186], %broadcast_in_dim3A_181 {strides = array<i32>} : memref<2048x1xi32, #tpu.memory_space<vmem>>, vector<2048x1xi32>,
    %iota3A_188 = tpu.iota {dimensions = array<i32: 0>} : vector<17x16xi32>
    %iota3A_189 = tpu.iota {dimensions = array<i32: 1>} : vector<17x16xi32>
    %broadcast_in_dim3A_190 = vector.shape_cast %mul3A_150 : vector<1x16xi32> to vector<1x16xi32>
    %broadcast_in_dim3A_191 = vector.broadcast %broadcast_in_dim3A_190 : vector<1x16xi32> to vector<17x16xi32>
    %lt3A_192 = arith.cmpi slt, %iota3A_189, %iota3A_188 : vector<17x16xi32>
    %jit3A_193 = arith.constant 0 : i32
    %broadcast_in_dim3A_194 = vector.broadcast %jit3A_193 : i32 to vector<17x16xi32>
    %select_n3A_195 = arith.select %lt3A_192, %broadcast_in_dim3A_191, %broadcast_in_dim3A_194 : vector<17x16xi1>, vector<17x16xi32>
    %reduce_sum3A_196 = arith.constant dense<0> : vector<17xi32>
    %reduce_sum3A_197 = vector.multi_reduction <add>, %select_n3A_195, %reduce_sum3A_196 [1] : vector<17x16xi32> to vector<17xi32>
    %broadcast_in_dim3A_198 = vector.shape_cast %reduce_sum3A_197 : vector<17xi32> to vector<17x1xi32>
    %jit3A_199 = arith.constant 256 : i32
    %div3A_200 = vector.broadcast %jit3A_199 : i32 to vector<17x1xi32>
    %div3A_201 = arith.divsi %broadcast_in_dim3A_198, %div3A_200 : vector<17x1xi32>
    %sign3A_202 = arith.constant 0 : i32
    %sign3A_203 = vector.broadcast %sign3A_202 : i32 to vector<17x1xi32>
    %sign3A_204 = arith.cmpi sgt, %broadcast_in_dim3A_198, %sign3A_203 : vector<17x1xi32>
    %sign3A_205 = arith.extui %sign3A_204 : vector<17x1xi1> to vector<17x1xi32>
    %sign3A_206 = arith.constant 0 : i32
    %sign3A_207 = vector.broadcast %sign3A_206 : i32 to vector<17x1xi32>
    %sign3A_208 = arith.cmpi slt, %broadcast_in_dim3A_198, %sign3A_207 : vector<17x1xi32>
    %sign3A_209 = arith.extui %sign3A_208 : vector<17x1xi1> to vector<17x1xi32>
    %sign3A_210 = arith.subi %sign3A_205, %sign3A_209 : vector<17x1xi32>
    %sign3A_211 = arith.constant 0 : i32
    %sign3A_212 = arith.cmpi sgt, %jit3A_199, %sign3A_211 : i32
    %sign3A_213 = arith.extui %sign3A_212 : i1 to i32
    %sign3A_214 = arith.constant 0 : i32
    %sign3A_215 = arith.cmpi slt, %jit3A_199, %sign3A_214 : i32
    %sign3A_216 = arith.extui %sign3A_215 : i1 to i32
    %sign3A_217 = arith.subi %sign3A_213, %sign3A_216 : i32
    %ne3A_218 = vector.broadcast %sign3A_217 : i32 to vector<17x1xi32>
    %ne3A_219 = arith.cmpi ne, %sign3A_210, %ne3A_218 : vector<17x1xi32>
    %rem3A_220 = vector.broadcast %jit3A_199 : i32 to vector<17x1xi32>
    %rem3A_221 = arith.remsi %broadcast_in_dim3A_198, %rem3A_220 : vector<17x1xi32>
    %ne3A_222 = arith.constant 0 : i32
    %ne3A_223 = vector.broadcast %ne3A_222 : i32 to vector<17x1xi32>
    %ne3A_224 = arith.cmpi ne, %rem3A_221, %ne3A_223 : vector<17x1xi32>
    %and3A_225 = arith.andi %ne3A_219, %ne3A_224 : vector<17x1xi1>
    %sub3A_226 = arith.constant 1 : i32
    %sub3A_227 = vector.broadcast %sub3A_226 : i32 to vector<17x1xi32>
    %sub3A_228 = arith.subi %div3A_201, %sub3A_227 : vector<17x1xi32>
    %select_n3A_229 = arith.select %and3A_225, %sub3A_228, %div3A_201 : vector<17x1xi1>, vector<17x1xi32>
    %swap3A_230 = arith.constant 0 : index
    %swap3A_231 = arith.constant 0 : index
    %swap3A_232 = vector.load %arg12[%swap3A_230, %swap3A_231] : memref<17x1xi32, #tpu.memory_space<vmem>>, vector<17x1xi32>
    tpu.vector_store %arg12[%swap3A_230, %swap3A_231], %select_n3A_229 {strides = array<i32>} : memref<17x1xi32, #tpu.memory_space<vmem>>, vector<17x1xi32>,
    return
  }
}

</mosaic_0001>

<sc_bundles>
// kernel: kernel.10.cloned.1.call-start
scs
__scs_entry_jumppad:
0x0: {  	(pc) =	sbr.rel $0x88, $3  }
0x1: {  	(tag) =	ssettag $0x0;
	lr =	simm.s32 $0x1  }
0x2: {  	[smem:$0x3F96] =	sst lr;
	_ =	strace $0xD0000000  }
0x3: {  	_ = 	snop  }
0x4: {  	_ = 	snop  }
0x5: {  	_ = 	snop  }
0x6: {  	_ = 	snop  }
0x7: {  	_ = 	snop  }
__scs_overlays_trampoline_lowered:
0x8: {  	[smem:$0x3FA5] =	sst s0  }
0x9: {  	[smem:$0x3FA6] =	sst s1  }
0xa: {  	[smem:$0x3FA7] =	sst s2  }
0xb: {  	[smem:$0x3FA8] =	sst s3  }
0xc: {  	[smem:$0x3FA9] =	sst s4  }
0xd: {  	[smem:$0x3FAA] =	sst s5  }
0xe: {  	[smem:$0x3FAB] =	sst s6  }
0xf: {  	[smem:$0x3FAC] =	sst s7  }
0x10: {  	[smem:$0x3FAD] =	sst s8  }
0x11: {  	[smem:$0x3FAE] =	sst s9;
	s0 =	simm.s32 @!p0 $0x0  }
0x12: {  	s1 =	sld [smem:$0x3F94];
	s0 =	simm.s32 @p0 $0x1  }
0x13: {  	[smem:$0x3FAF] =	sst s0;
	s0 =	simm.s32 @!p1 $0x0  }
0x14: {  	s2 =	sld [smem:$0x3F93];
	s0 =	simm.s32 @p1 $0x1  }
0x15: {  	[smem:$0x3FB0] =	sst s0;
	s0 =	simm.s32 @!p2 $0x0  }
0x16: {  	s3 =	sld [smem:$0x3FDB];
	s0 =	simm.s32 @p2 $0x1  }
0x17: {  	s4 =	simm.s32 $0x1BF5;
	[smem:$0x3FB2] =	sst s0  }
0x18: {  	s0 =	sld [smem:$0x3F95];
	_ =	swait.ge [sflag:s4], $0x0  }
0x19: {  	s7 =	sld [smem:$0x3F96]  }
0x1a: {  	s8 =	sadd.s32 $0xFFFFE003, lr  }
0x1b: {  	s9 =	sadd.s32 $0xFFFFFEF7, lr;
	s5 =	simm.s32 $0xFFFFFFFF;
	p2 =	slt.u32 s8, $0xFFFFF086  }
0x1c: {  	p1 =	slt.u32 s9, $0xF7A;
	s5 =	simm.s32 @!p2 $0x0  }
0x1d: {  	s5 =	simm.s32 @p1 $0x1;
	p0 =	seq.s32 s7, s2  }
0x1e: {  	s7 =	smul.u32 @!p0 $0xF7A, s2;
	p2 =	seq.s32 @!p0 s5, $0x0  }
0x1f: {  	s9 =	smul.u32 $0xF7A, s1;
	s8 =	simm.s32 @!p0 $0x1BF5;
	p2 =	por !p2, p0  }
0x20: {  	[sflag:s8] =	ssyncset.s32 @!p0 $0xFFFFF086;
	s6 =	sadd.s32 @!p0 s3, s7;
	s7 =	simm.s32 @!p0 $0x108  }
0x21: {  	s3 =	sadd.s32 s3, s9;
	s6 =	sadd.s32 @!p0 $0x88, s6;
	s7 =	simm.s32 @p2 $0x1082  }
0x22: {  	[simem:s7], [sflag:s8] =	dma.local @!p0 [hbm:s6], $0xF7A  }
0x23: {  	s9 =	sor.u32 $0xD0000000, s2;
	s6 =	simm.s32 $0x108;
	_ =	swait.ge @!p0 [sflag:s8], $0x0  }
0x24: {  	s3 =	sadd.s32 $0x88, s3;
	s6 =	simm.s32 @!p1 $0x1082;
	[sflag:s4] =	ssyncset.s32 $0xFFFFF086  }
0x25: {  	[simem:s6], [sflag:s4] =	dma.local [hbm:s3], $0xF7A  }
0x26: {  	[smem:$0x3F96] =	sst s1;
	(tag) =	ssettag s2;
	_ =	strace s9  }
0x27: {  	s1 =	sld [smem:$0x3FA6]  }
0x28: {  	s2 =	sld [smem:$0x3FA7]  }
0x29: {  	s4 =	sld [smem:$0x3FA9]  }
0x2a: {  	p0 =	seq.s32 s5, $0x0;
	s5 =	sld [smem:$0x3FAA]  }
0x2b: {  	s6 =	sld [smem:$0x3FAB]  }
0x2c: {  	s7 =	sld [smem:$0x3FAC]  }
0x2d: {  	s3 =	simm.s32 $0x108;
	s8 =	sld [smem:$0x3FAD]  }
0x2e: {  	s3 =	simm.s32 @!p0 $0x1082;
	s9 =	sld [smem:$0x3FAE]  }
0x2f: {  	lr =	sadd.s32 s0, s3;
	s0 =	sld [smem:$0x3FA5]  }
0x30: {  	s3 =	sld [smem:$0x3FA8]  }
0x31: {  	[smem:$0x3FB1] =	sst s10  }
0x32: {  	s10 =	sld [smem:$0x3FAF];
	_ =	sdelay $0x3  }
0x33: {  	p0 =	seq.s32 s10, $0x1;
	s10 =	sld [smem:$0x3FB1];
	_ =	sdelay $0x3  }
0x34: {  	[smem:$0x3FB1] =	sst s10  }
0x35: {  	s10 =	sld [smem:$0x3FB0];
	_ =	sdelay $0x3  }
0x36: {  	p1 =	seq.s32 s10, $0x1;
	s10 =	sld [smem:$0x3FB1];
	_ =	sdelay $0x3  }
0x37: {  	[smem:$0x3FB1] =	sst s10  }
0x38: {  	s10 =	sld [smem:$0x3FB2]  }
0x39: {  	_ = 	snop;
	(pc) =	sbr.ind lr, $3  }
0x3a: {  	_ = 	snop  }
0x3b: {  	_ = 	snop  }
0x3c: {  	p2 =	seq.s32 s10, $0x1;
	s10 =	sld [smem:$0x3FB1]  }
0x3d: {  	_ =	shalt  }
0x3e: {  	_ =	shalt  }
0x3f: {  	_ =	shalt  }
0x40: {  	_ =	shalt  }
0x41: {  	_ =	shalt  }
0x42: {  	_ =	shalt  }
0x43: {  	_ =	shalt  }
0x44: {  	_ =	shalt  }
0x45: {  	_ =	shalt  }
0x46: {  	_ =	shalt  }
0x47: {  	_ =	shalt  }
0x48: {  	_ =	shalt  }
0x49: {  	_ =	shalt  }
0x4a: {  	_ =	shalt  }
0x4b: {  	_ =	shalt  }
0x4c: {  	_ =	shalt  }
0x4d: {  	_ =	shalt  }
0x4e: {  	_ =	shalt  }
0x4f: {  	_ =	shalt  }
0x50: {  	_ =	shalt  }
0x51: {  	_ =	shalt  }
0x52: {  	_ =	shalt  }
0x53: {  	_ =	shalt  }
0x54: {  	_ =	shalt  }
0x55: {  	_ =	shalt  }
0x56: {  	_ =	shalt  }
0x57: {  	_ =	shalt  }
0x58: {  	_ =	shalt  }
0x59: {  	_ =	shalt  }
0x5a: {  	_ =	shalt  }
0x5b: {  	_ =	shalt  }
0x5c: {  	_ =	shalt  }
0x5d: {  	_ =	shalt  }
0x5e: {  	_ =	shalt  }
0x5f: {  	_ =	shalt  }
0x60: {  	_ =	shalt  }
0x61: {  	_ =	shalt  }
0x62: {  	_ =	shalt  }
0x63: {  	_ =	shalt  }
0x64: {  	_ =	shalt  }
0x65: {  	_ =	shalt  }
0x66: {  	_ =	shalt  }
0x67: {  	_ =	shalt  }
0x68: {  	_ =	shalt  }
0x69: {  	_ =	shalt  }
0x6a: {  	_ =	shalt  }
0x6b: {  	_ =	shalt  }
0x6c: {  	_ =	shalt  }
0x6d: {  	_ =	shalt  }
0x6e: {  	_ =	shalt  }
0x6f: {  	_ =	shalt  }
0x70: {  	_ =	shalt  }
0x71: {  	_ =	shalt  }
0x72: {  	_ =	shalt  }
0x73: {  	_ =	shalt  }
0x74: {  	_ =	shalt  }
0x75: {  	_ =	shalt  }
0x76: {  	_ =	shalt  }
0x77: {  	_ =	shalt  }
0x78: {  	_ =	shalt  }
0x79: {  	_ =	shalt  }
0x7a: {  	_ =	shalt  }
0x7b: {  	_ =	shalt  }
0x7c: {  	_ =	shalt  }
0x7d: {  	_ =	shalt  }
0x7e: {  	_ =	shalt  }
0x7f: {  	_ =	shalt  }
0x80: {  	_ =	shalt  }
0x81: {  	_ =	shalt  }
0x82: {  	_ =	shalt  }
0x83: {  	_ =	shalt  }
0x84: {  	_ =	shalt  }
0x85: {  	_ =	shalt  }
0x86: {  	_ =	shalt  }
0x87: {  	_ =	shalt  }
.Lfunc_end0:
.L_simem_size_0:
called_computation.1_lowered:
.L_overlay_start_0:
0x88: {  	s2 =	sld [smem:$0x3FD9]  }
0x89: {  	s3 =	sld [smem:$0x3FFE];
	_ =	sdelay $0x1  }
0x8a: {  	s1 =	srdreg.scid  }
0x8b: {  	s0 =	sand.u32 $0x1, s1  }
0x8c: {  	s17 =	sshll.u32 s0, $0xA;
	s2 =	sadd.s32 s3, s2  }
0x8d: {  	s2 =	sadd.s32 s2, s17  }
0x8e: {  	[smem:$0x3FBD] =	sst s2  }
0x8f: {  	_ = 	snop  }
0x90: {  	s2 =	sld [smem:$0x3FD0];
	(tm) =	ssettm $0x1  }
0x91: {  	s18 =	sld [smem:$0x3FFB];
	_ =	sdelay $0x3  }
0x92: {  	_ =	strace s18  }
0x93: {  	s3 =	sld [smem:$0x3FFC];
	_ =	sdelay $0x3  }
0x94: {  	_ =	strace s3  }
0x95: {  	s3 =	sld [smem:$0x3FFD];
	_ =	sdelay $0x3  }
0x96: {  	_ =	strace s3  }
0x97: {  	_ =	strace $0x8FFFFFFF  }
0x98: {  	s19 =	sld [smem:$0x3FDB];
	_ =	sdelay $0x1  }
0x99: {  	s4 =	simm.s32 $_scs_section_size  }
0x9a: {  	s5 =	simm.s32 $_size__tile_overlayer_lowered;
	s6 =	simm.s32 $_tile_overlayer_lowered  }
0x9b: {  	s22 =	simm.s32 $0x1BFF;
	s21 =	sshll.u32 s6, $0x1;
	s3 =	sadd.s32 s4, s19  }
0x9c: {  	s7 =	simm.s32 $0x0;
	s20 =	sshll.u32 s5, $0x1;
	s5 =	sadd.s32 s21, s3  }
0x9d: {  	[timem:s7], [sflag:s22] =	dma.local [hbm:s5], s20  }
0x9e: {  	_ =	swait.ge [sflag:s22], s20  }
0x9f: {  	s4 =	ssub.s32 $0x0, s20;
	[sflag:s22] =	ssyncset.done $0x0  }
0xa0: {  	[sflag:s22] =	ssyncadd.s32 s4;
	_ =	sdelay $0x1  }
0xa1: {  	s23 =	simm.s32 $0x1B8B  }
0xa2: {  	_ =	swait.ge [sflag:s23], $0x1  }
0xa3: {  	[sflag:s23] =	ssyncset.done $0x0  }
0xa4: {  	s25 =	simm.s32 $0x1B8E;
	s24 =	sld [smem:$0x3FFE];
	[sflag:s23] =	ssyncadd.s32 $0xFFFFFFFF  }
0xa5: {  	s26 =	simm.s32 $execute0_lowered;
	[smem:$0x3FD2] =	sst s25  }
0xa6: {  	s5 =	sshll.u32 s26, $0x1;
	_ =	strace $0x80000049;
	[dreg:$0x1] =	wrdreg $0xFFFFFFFF  }
0xa7: {  	s28 =	simm.s32 $_size_execute0_lowered;
	s3 =	sadd.s32 s3, s5;
	[dreg:$0x0] =	wrdreg $0x0  }
0xa8: {  	s5 =	sshll.u32 s28, $0x1;
	[dreg:$0x2] =	wrdreg s3  }
0xa9: {  	[dreg:$0x3] =	wrdreg s5  }
0xaa: {  	[dreg:$0x4] =	wrdreg $0xC0  }
0xab: {  	_ =	task [dreg:s7], $0x5FFFF  }
0xac: {  	[dreg:$0x1] =	wrdreg $0xFFFFFFFF  }
0xad: {  	[dreg:$0x0] =	wrdreg $0x60  }
0xae: {  	[dreg:$0x2] =	wrdreg s24  }
0xaf: {  	[dreg:$0x3] =	wrdreg s2  }
0xb0: {  	[dreg:$0x4] =	wrdreg $0x9  }
0xb1: {  	_ =	task.clear_ibuf [dreg:s7], $0x5FFFF;
	_ =	strace $0x90000049  }
0xb2: {  	s29 =	simm.s32 $0x9;
	_ =	strace $0x8000004B  }
0xb3: {  	_ =	swait.ge [sflag:s29], $0x1  }
0xb4: {  	[sflag:s29] =	ssyncadd.s32 $0xFFFFFFFF  }
0xb5: {  	_ =	strace $0x9000004B  }
0xb6: {  	_ =	sfence  }
0xb7: {  	s30 =	sld [smem:$0x0];
	_ =	sdelay $0x2  }
0xb8: {  	s31 =	sshll.u32 s1, $0xD;
	s1 =	sshrl.u32 s1, $0x2  }
0xb9: {  	s3 =	sand.u32 $0x4000, s31;
	s1 =	sadd.s32 s1, s30  }
0xba: {  	s0 =	sor.u32 s3, s0;
	s1 =	sshll.u32 s1, $0x11  }
0xbb: {  	s0 =	sor.u32 s1, s0  }
0xbc: {  	s0 =	sadd.s32 $0x8F2B, s0  }
0xbd: {  	[sflag:s0] =	ssyncadd.remote.s32 $0x1  }
0xbe: {  	_ =	sfence.sel $0xFFFF  }
0xbf: {  	[dreg:$0x0] =	wrdreg $0xFFFFFFFF;
	(pc) =	sbr.abs _section_cstart, $3  }
0xc0: {  	[dreg:$0x1] =	wrdreg $0xFFFFFFFF  }
0xc1: {  	_ =	task.clear_ibuf [dreg:s7], $0x2FFFF;
	_ =	strace $0x9FFFFFFF  }
0xc2: {  	(tm) =	ssettm $0x7FFFFFFF  }
0xc3: {  	_ =	shalt  }
tec
execute0_lowered:
.L_overlay_start_1:
0x0: {  	(tag) =	ssettag $0x1  }
0x1: {  	s0 =	rddreg [dreg:$0x0]  }
0x2: {  	s1 =	rddreg [dreg:$0x1];
	s3 =	srdreg.scid  }
0x3: {  	s2 =	simm.s32 $0x0;
	s5 =	stileid.u32;
	s18 =	simm.s32 $0x1  }
0x4: {  	s20 =	simm.s32 $0x880;
	s21 =	simm.s32 $0x1080;
	s28 =	simm.s32 $0x4080  }
0x5: {  	s29 =	simm.s32 $0x4880;
	s30 =	simm.s32 $0x5080;
	s31 =	simm.s32 $0x5880  }
0x6: {  	s10 =	simm.s32 $0x7080;
	s11 =	simm.s32 $0x7880;
	s12 =	simm.s32 $0x8080  }
0x7: {  	s13 =	simm.s32 $0x8880;
	s14 =	simm.s32 $0x9080;
	s15 =	simm.s32 $0x9880  }
0x8: {  	s16 =	simm.s32 $0xA080;
	s17 =	simm.s32 $0xA880;
	s9 =	simm.s32 $0xB080  }
0x9: {  	s4 =	sand.u32 $0x1, s3;
	[smem:$0x7FF] =	sst s2;
	s22 =	sshll.u32 s5, $0x7  }
0xa: {  	s3 =	sadd.s32 $0x101400, s0;
	s23 =	sshll.u32 s4, $0x6;
	s4 =	ssub.s32 $0x2, s4  }
0xb: {  	_ =	strace $0x8000004A;
	s5 =	sor.u32 s23, s22;
	s7 =	sshrl.u32 s4, $0x1  }
0xc: {  	s22 =	simm.s32 $0x1880;
	s23 =	simm.s32 $0x2080;
	s6 =	sshrl.u32 s5, $0x3  }
0xd: {  	s5 =	sshll.u32 s5, $0x7;
	s7 =	ssub.s32 s4, s7;
	s4 =	sadd.s32 $0x101500, s0  }
0xe: {  	s6 =	sadd.s32 s6, s0;
	s8 =	sadd.s32 s5, s0;
	s1 =	sadd.s32 s1, s5  }
0xf: {  	s5 =	sadd.s32 $0x101600, s0;
	s24 =	sadd.s32 $0x1000, s6;
	[dreg:$0x4] =	wrdreg s1  }
0x10: {  	s7 =	smax.u32 s7, $0x1;
	s25 =	sadd.s32 $0x1200, s6;
	[dreg:$0x3] =	wrdreg s24  }
0x11: {  	v2 =	vlaneseq.u32;
	s6 =	sadd.s32 $0x101700, s0;
	s26 =	sadd.s32 $0x1400, s8;
	[dreg:$0x5] =	wrdreg s25  }
0x12: {  	vm0 =	vmmov $0xffff;
	v1 =	vshrl.u32 v2, $0x3;
	s8 =	simm.s32 $0x2;
	s0 =	simm.s32 $0x80;
	[dreg:$0x6] =	wrdreg s26  }
0x13: {  	v0 =	vand.u32 $0x7, v2;
	v2 =	vor.u32 $0x8, v2;
	v1 =	vmul.u32 $0x8, v1;
	s24 =	simm.s32 $0x2880;
	s25 =	simm.s32 $0x3080;
	s26 =	simm.s32 $0x3880  }
.LBB2_1:
0x14: {  	s19 =	rddreg [dreg:$0x3]  }
0x15: {  	[tilespmem:s2], [sflag:$0x2] =	stream.linear.gather [hbm4b:s19+s2], $0x40, $0x38;
	[tilespmem:$0x10080] =	vst v63  }
0x16: {  	_ =	swait.ge [sflag:s8], $0x40  }
0x17: {  	[sflag:s8] =	ssyncset.done $0x0  }
0x18: {  	[sflag:s8] =	ssyncadd.s32 $0xFFFFFFC0  }
0x19: {  	v3 =	vld [tilespmem:$0x0];
	_ =	sdelay $0x4  }
0x1a: {  	v4 =	vshll.u32 v3, $0x3  }
0x1b: {  	v3 =	vand.u32 $0x7, v3;
	v4 =	vand.u32 $0xFFFFFFC0, v4  }
0x1c: {  	v3 =	vor.u32 v3, v4  }
0x1d: {  	v4 =	vperm.xlane v3, v0;
	_ =	sdelay $0x1  }
0x1e: {  	v4 =	vadd.s32 v1, v4;
	_ =	sdelay $0x4  }
0x1f: {  	[tilespmem:s0], [sflag:$0x1] =	stream.indirect_vreg.gather [hbm4b:s3+s2], $0x80, v4, vm0, $0xb8;
	[tilespmem:$0x10080] =	vst v63  }
0x20: {  	v3 =	vperm.xlane v3, v2  }
0x21: {  	[tilespmem:s20], [sflag:$0x1] =	stream.indirect_vreg.gather [hbm4b:s4+s2], $0x80, v4, vm0, $0xb8;
	[tilespmem:$0x10080] =	vst v63  }
0x22: {  	v3 =	vadd.s32 v1, v3  }
0x23: {  	[tilespmem:s21], [sflag:$0x1] =	stream.indirect_vreg.gather [hbm4b:s5+s2], $0x80, v4, vm0, $0xb8;
	[tilespmem:$0x10080] =	vst v63  }
0x24: {  	_ = 	snop  }
0x25: {  	[tilespmem:s22], [sflag:$0x1] =	stream.indirect_vreg.gather [hbm4b:s6+s2], $0x80, v4, vm0, $0xb8;
	[tilespmem:$0x10080] =	vst v63  }
0x26: {  	_ = 	snop  }
0x27: {  	[tilespmem:s23], [sflag:$0x1] =	stream.indirect_vreg.gather [hbm4b:s3+s2], $0x80, v3, vm0, $0xb8;
	[tilespmem:$0x10080] =	vst v63  }
0x28: {  	_ = 	snop  }
0x29: {  	[tilespmem:s24], [sflag:$0x1] =	stream.indirect_vreg.gather [hbm4b:s4+s2], $0x80, v3, vm0, $0xb8;
	[tilespmem:$0x10080] =	vst v63  }
0x2a: {  	_ = 	snop  }
0x2b: {  	[tilespmem:s25], [sflag:$0x1] =	stream.indirect_vreg.gather [hbm4b:s5+s2], $0x80, v3, vm0, $0xb8;
	[tilespmem:$0x10080] =	vst v63  }
0x2c: {  	_ = 	snop  }
0x2d: {  	[tilespmem:s26], [sflag:$0x1] =	stream.indirect_vreg.gather [hbm4b:s6+s2], $0x80, v3, vm0, $0xb8;
	[tilespmem:$0x10080] =	vst v63  }
0x2e: {  	v3 =	vld [tilespmem:$0x10];
	_ =	sdelay $0x4  }
0x2f: {  	v57 =	vshll.u32 v3, $0x3  }
0x30: {  	v3 =	vand.u32 $0x7, v3;
	v4 =	vand.u32 $0xFFFFFFC0, v57  }
0x31: {  	v3 =	vor.u32 v3, v4  }
0x32: {  	v4 =	vperm.xlane v3, v0;
	_ =	sdelay $0x1  }
0x33: {  	v4 =	vadd.s32 v1, v4;
	_ =	sdelay $0x4  }
0x34: {  	[tilespmem:s28], [sflag:$0x1] =	stream.indirect_vreg.gather [hbm4b:s3+s2], $0x80, v4, vm0, $0xb8;
	[tilespmem:$0x10080] =	vst v63  }
0x35: {  	v3 =	vperm.xlane v3, v2  }
0x36: {  	[tilespmem:s29], [sflag:$0x1] =	stream.indirect_vreg.gather [hbm4b:s4+s2], $0x80, v4, vm0, $0xb8;
	[tilespmem:$0x10080] =	vst v63  }
0x37: {  	v3 =	vadd.s32 v1, v3  }
0x38: {  	[tilespmem:s30], [sflag:$0x1] =	stream.indirect_vreg.gather [hbm4b:s5+s2], $0x80, v4, vm0, $0xb8;
	[tilespmem:$0x10080] =	vst v63  }
0x39: {  	_ = 	snop  }
0x3a: {  	[tilespmem:s31], [sflag:$0x1] =	stream.indirect_vreg.gather [hbm4b:s6+s2], $0x80, v4, vm0, $0xb8;
	[tilespmem:$0x10080] =	vst v63  }
0x3b: {  	s1 =	simm.s32 $0x6080  }
0x3c: {  	[tilespmem:s1], [sflag:$0x1] =	stream.indirect_vreg.gather [hbm4b:s3+s2], $0x80, v3, vm0, $0xb8;
	[tilespmem:$0x10080] =	vst v63  }
0x3d: {  	s1 =	simm.s32 $0x6880  }
0x3e: {  	[tilespmem:s1], [sflag:$0x1] =	stream.indirect_vreg.gather [hbm4b:s4+s2], $0x80, v3, vm0, $0xb8;
	[tilespmem:$0x10080] =	vst v63  }
0x3f: {  	_ = 	snop  }
0x40: {  	[tilespmem:s10], [sflag:$0x1] =	stream.indirect_vreg.gather [hbm4b:s5+s2], $0x80, v3, vm0, $0xb8;
	[tilespmem:$0x10080] =	vst v63  }
0x41: {  	_ = 	snop  }
0x42: {  	[tilespmem:s11], [sflag:$0x1] =	stream.indirect_vreg.gather [hbm4b:s6+s2], $0x80, v3, vm0, $0xb8;
	[tilespmem:$0x10080] =	vst v63  }
0x43: {  	v3 =	vld [tilespmem:$0x20];
	_ =	sdelay $0x4  }
0x44: {  	v58 =	vshll.u32 v3, $0x3  }
0x45: {  	v3 =	vand.u32 $0x7, v3;
	v4 =	vand.u32 $0xFFFFFFC0, v58  }
0x46: {  	v3 =	vor.u32 v3, v4  }
0x47: {  	v4 =	vperm.xlane v3, v0;
	_ =	sdelay $0x1  }
0x48: {  	v4 =	vadd.s32 v1, v4;
	_ =	sdelay $0x4  }
0x49: {  	[tilespmem:s12], [sflag:$0x1] =	stream.indirect_vreg.gather [hbm4b:s3+s2], $0x80, v4, vm0, $0xb8;
	[tilespmem:$0x10080] =	vst v63  }
0x4a: {  	v3 =	vperm.xlane v3, v2  }
0x4b: {  	[tilespmem:s13], [sflag:$0x1] =	stream.indirect_vreg.gather [hbm4b:s4+s2], $0x80, v4, vm0, $0xb8;
	[tilespmem:$0x10080] =	vst v63  }
0x4c: {  	v3 =	vadd.s32 v1, v3  }
0x4d: {  	[tilespmem:s14], [sflag:$0x1] =	stream.indirect_vreg.gather [hbm4b:s5+s2], $0x80, v4, vm0, $0xb8;
	[tilespmem:$0x10080] =	vst v63  }
0x4e: {  	_ = 	snop  }
0x4f: {  	[tilespmem:s15], [sflag:$0x1] =	stream.indirect_vreg.gather [hbm4b:s6+s2], $0x80, v4, vm0, $0xb8;
	[tilespmem:$0x10080] =	vst v63  }
0x50: {  	_ = 	snop  }
0x51: {  	[tilespmem:s16], [sflag:$0x1] =	stream.indirect_vreg.gather [hbm4b:s3+s2], $0x80, v3, vm0, $0xb8;
	[tilespmem:$0x10080] =	vst v63  }
0x52: {  	_ = 	snop  }
0x53: {  	[tilespmem:s17], [sflag:$0x1] =	stream.indirect_vreg.gather [hbm4b:s4+s2], $0x80, v3, vm0, $0xb8;
	[tilespmem:$0x10080] =	vst v63  }
0x54: {  	_ = 	snop  }
0x55: {  	[tilespmem:s9], [sflag:$0x1] =	stream.indirect_vreg.gather [hbm4b:s5+s2], $0x80, v3, vm0, $0xb8;
	[tilespmem:$0x10080] =	vst v63  }
0x56: {  	s19 =	simm.s32 $0xB880  }
0x57: {  	[tilespmem:s19], [sflag:$0x1] =	stream.indirect_vreg.gather [hbm4b:s6+s2], $0x80, v3, vm0, $0xb8;
	[tilespmem:$0x10080] =	vst v63  }
0x58: {  	v3 =	vld [tilespmem:$0x30];
	_ =	sdelay $0x4  }
0x59: {  	v59 =	vshll.u32 v3, $0x3  }
0x5a: {  	v3 =	vand.u32 $0x7, v3;
	v4 =	vand.u32 $0xFFFFFFC0, v59  }
0x5b: {  	v3 =	vor.u32 v3, v4  }
0x5c: {  	v4 =	vperm.xlane v3, v0;
	_ =	sdelay $0x1  }
0x5d: {  	v4 =	vadd.s32 v1, v4;
	_ =	sdelay $0x3  }
0x5e: {  	s19 =	simm.s32 $0xC080  }
0x5f: {  	[tilespmem:s19], [sflag:$0x1] =	stream.indirect_vreg.gather [hbm4b:s3+s2], $0x80, v4, vm0, $0xb8;
	[tilespmem:$0x10080] =	vst v63  }
0x60: {  	v3 =	vperm.xlane v3, v2;
	s19 =	simm.s32 $0xC880  }
0x61: {  	[tilespmem:s19], [sflag:$0x1] =	stream.indirect_vreg.gather [hbm4b:s4+s2], $0x80, v4, vm0, $0xb8;
	[tilespmem:$0x10080] =	vst v63  }
0x62: {  	v3 =	vadd.s32 v1, v3;
	s19 =	simm.s32 $0xD080  }
0x63: {  	[tilespmem:s19], [sflag:$0x1] =	stream.indirect_vreg.gather [hbm4b:s5+s2], $0x80, v4, vm0, $0xb8;
	[tilespmem:$0x10080] =	vst v63  }
0x64: {  	s19 =	simm.s32 $0xD880  }
0x65: {  	[tilespmem:s19], [sflag:$0x1] =	stream.indirect_vreg.gather [hbm4b:s6+s2], $0x80, v4, vm0, $0xb8;
	[tilespmem:$0x10080] =	vst v63  }
0x66: {  	s19 =	simm.s32 $0xE080  }
0x67: {  	[tilespmem:s19], [sflag:$0x1] =	stream.indirect_vreg.gather [hbm4b:s3+s2], $0x80, v3, vm0, $0xb8;
	[tilespmem:$0x10080] =	vst v63  }
0x68: {  	s19 =	simm.s32 $0xE880  }
0x69: {  	[tilespmem:s19], [sflag:$0x1] =	stream.indirect_vreg.gather [hbm4b:s4+s2], $0x80, v3, vm0, $0xb8;
	[tilespmem:$0x10080] =	vst v63  }
0x6a: {  	s19 =	simm.s32 $0xF080  }
0x6b: {  	[tilespmem:s19], [sflag:$0x1] =	stream.indirect_vreg.gather [hbm4b:s5+s2], $0x80, v3, vm0, $0xb8;
	[tilespmem:$0x10080] =	vst v63  }
0x6c: {  	s19 =	simm.s32 $0xF880  }
0x6d: {  	[tilespmem:s19], [sflag:$0x1] =	stream.indirect_vreg.gather [hbm4b:s6+s2], $0x80, v3, vm0, $0xb8;
	[tilespmem:$0x10080] =	vst v63  }
0x6e: {  	_ =	swait.ge [sflag:s18], $0x10000  }
0x6f: {  	[sflag:s18] =	ssyncset.done $0x0  }
0x70: {  	s19 =	rddreg [dreg:$0x4];
	[sflag:s18] =	ssyncadd.s32 $0xFFFF0000  }
0x71: {  	[hbm4b:s19+s2] =	stream.linear.scatter [tilespmem:s0], [sflag:$0x2], $0x10000, $0x38;
	[tilespmem:$0x10080] =	vst v63  }
0x72: {  	_ =	swait.ge [sflag:s8], $0x10000  }
0x73: {  	[sflag:s8] =	ssyncset.done $0x0  }
0x74: {  	s19 =	rddreg [dreg:$0x5];
	[sflag:s8] =	ssyncadd.s32 $0xFFFF0000  }
0x75: {  	[tilespmem:s2], [sflag:$0x2] =	stream.linear.gather [hbm4b:s19+s2], $0x40, $0x38;
	[tilespmem:$0x10080] =	vst v63  }
0x76: {  	_ =	swait.ge [sflag:s8], $0x40  }
0x77: {  	[sflag:s8] =	ssyncset.done $0x0  }
0x78: {  	[sflag:s8] =	ssyncadd.s32 $0xFFFFFFC0  }
0x79: {  	v3 =	vld [tilespmem:$0x0];
	_ =	sdelay $0x4  }
0x7a: {  	v60 =	vshll.u32 v3, $0x3  }
0x7b: {  	v3 =	vand.u32 $0x7, v3;
	v4 =	vand.u32 $0xFFFFFFC0, v60  }
0x7c: {  	v3 =	vor.u32 v3, v4  }
0x7d: {  	v4 =	vperm.xlane v3, v0;
	_ =	sdelay $0x1  }
0x7e: {  	v4 =	vadd.s32 v1, v4;
	_ =	sdelay $0x4  }
0x7f: {  	[tilespmem:s0], [sflag:$0x1] =	stream.indirect_vreg.gather [hbm4b:s3+s2], $0x80, v4, vm0, $0xb8;
	[tilespmem:$0x10080] =	vst v63  }
0x80: {  	v3 =	vperm.xlane v3, v2  }
0x81: {  	[tilespmem:s20], [sflag:$0x1] =	stream.indirect_vreg.gather [hbm4b:s4+s2], $0x80, v4, vm0, $0xb8;
	[tilespmem:$0x10080] =	vst v63  }
0x82: {  	v3 =	vadd.s32 v1, v3  }
0x83: {  	[tilespmem:s21], [sflag:$0x1] =	stream.indirect_vreg.gather [hbm4b:s5+s2], $0x80, v4, vm0, $0xb8;
	[tilespmem:$0x10080] =	vst v63  }
0x84: {  	_ = 	snop  }
0x85: {  	[tilespmem:s22], [sflag:$0x1] =	stream.indirect_vreg.gather [hbm4b:s6+s2], $0x80, v4, vm0, $0xb8;
	[tilespmem:$0x10080] =	vst v63  }
0x86: {  	_ = 	snop  }
0x87: {  	[tilespmem:s23], [sflag:$0x1] =	stream.indirect_vreg.gather [hbm4b:s3+s2], $0x80, v3, vm0, $0xb8;
	[tilespmem:$0x10080] =	vst v63  }
0x88: {  	_ = 	snop  }
0x89: {  	[tilespmem:s24], [sflag:$0x1] =	stream.indirect_vreg.gather [hbm4b:s4+s2], $0x80, v3, vm0, $0xb8;
	[tilespmem:$0x10080] =	vst v63  }
0x8a: {  	_ = 	snop  }
0x8b: {  	[tilespmem:s25], [sflag:$0x1] =	stream.indirect_vreg.gather [hbm4b:s5+s2], $0x80, v3, vm0, $0xb8;
	[tilespmem:$0x10080] =	vst v63  }
0x8c: {  	_ = 	snop  }
0x8d: {  	[tilespmem:s26], [sflag:$0x1] =	stream.indirect_vreg.gather [hbm4b:s6+s2], $0x80, v3, vm0, $0xb8;
	[tilespmem:$0x10080] =	vst v63  }
0x8e: {  	v3 =	vld [tilespmem:$0x10];
	_ =	sdelay $0x4  }
0x8f: {  	v61 =	vshll.u32 v3, $0x3  }
0x90: {  	v3 =	vand.u32 $0x7, v3;
	v4 =	vand.u32 $0xFFFFFFC0, v61  }
0x91: {  	v3 =	vor.u32 v3, v4  }
0x92: {  	v4 =	vperm.xlane v3, v0;
	_ =	sdelay $0x1  }
0x93: {  	v4 =	vadd.s32 v1, v4;
	_ =	sdelay $0x4  }
0x94: {  	[tilespmem:s28], [sflag:$0x1] =	stream.indirect_vreg.gather [hbm4b:s3+s2], $0x80, v4, vm0, $0xb8;
	[tilespmem:$0x10080] =	vst v63  }
0x95: {  	v3 =	vperm.xlane v3, v2  }
0x96: {  	[tilespmem:s29], [sflag:$0x1] =	stream.indirect_vreg.gather [hbm4b:s4+s2], $0x80, v4, vm0, $0xb8;
	[tilespmem:$0x10080] =	vst v63  }
0x97: {  	v3 =	vadd.s32 v1, v3  }
0x98: {  	[tilespmem:s30], [sflag:$0x1] =	stream.indirect_vreg.gather [hbm4b:s5+s2], $0x80, v4, vm0, $0xb8;
	[tilespmem:$0x10080] =	vst v63  }
0x99: {  	_ = 	snop  }
0x9a: {  	[tilespmem:s31], [sflag:$0x1] =	stream.indirect_vreg.gather [hbm4b:s6+s2], $0x80, v4, vm0, $0xb8;
	[tilespmem:$0x10080] =	vst v63  }
0x9b: {  	s19 =	simm.s32 $0x6080  }
0x9c: {  	[tilespmem:s19], [sflag:$0x1] =	stream.indirect_vreg.gather [hbm4b:s3+s2], $0x80, v3, vm0, $0xb8;
	[tilespmem:$0x10080] =	vst v63  }
0x9d: {  	_ = 	snop  }
0x9e: {  	[tilespmem:s1], [sflag:$0x1] =	stream.indirect_vreg.gather [hbm4b:s4+s2], $0x80, v3, vm0, $0xb8;
	[tilespmem:$0x10080] =	vst v63  }
0x9f: {  	_ = 	snop  }
0xa0: {  	[tilespmem:s10], [sflag:$0x1] =	stream.indirect_vreg.gather [hbm4b:s5+s2], $0x80, v3, vm0, $0xb8;
	[tilespmem:$0x10080] =	vst v63  }
0xa1: {  	_ = 	snop  }
0xa2: {  	[tilespmem:s11], [sflag:$0x1] =	stream.indirect_vreg.gather [hbm4b:s6+s2], $0x80, v3, vm0, $0xb8;
	[tilespmem:$0x10080] =	vst v63  }
0xa3: {  	v3 =	vld [tilespmem:$0x20];
	_ =	sdelay $0x4  }
0xa4: {  	v62 =	vshll.u32 v3, $0x3  }
0xa5: {  	v3 =	vand.u32 $0x7, v3;
	v4 =	vand.u32 $0xFFFFFFC0, v62  }
0xa6: {  	v3 =	vor.u32 v3, v4  }
0xa7: {  	v4 =	vperm.xlane v3, v0;
	_ =	sdelay $0x1  }
0xa8: {  	v4 =	vadd.s32 v1, v4;
	_ =	sdelay $0x4  }
0xa9: {  	[tilespmem:s12], [sflag:$0x1] =	stream.indirect_vreg.gather [hbm4b:s3+s2], $0x80, v4, vm0, $0xb8;
	[tilespmem:$0x10080] =	vst v63  }
0xaa: {  	v3 =	vperm.xlane v3, v2  }
0xab: {  	[tilespmem:s13], [sflag:$0x1] =	stream.indirect_vreg.gather [hbm4b:s4+s2], $0x80, v4, vm0, $0xb8;
	[tilespmem:$0x10080] =	vst v63  }
0xac: {  	v3 =	vadd.s32 v1, v3  }
0xad: {  	[tilespmem:s14], [sflag:$0x1] =	stream.indirect_vreg.gather [hbm4b:s5+s2], $0x80, v4, vm0, $0xb8;
	[tilespmem:$0x10080] =	vst v63  }
0xae: {  	_ = 	snop  }
0xaf: {  	[tilespmem:s15], [sflag:$0x1] =	stream.indirect_vreg.gather [hbm4b:s6+s2], $0x80, v4, vm0, $0xb8;
	[tilespmem:$0x10080] =	vst v63  }
0xb0: {  	_ = 	snop  }
0xb1: {  	[tilespmem:s16], [sflag:$0x1] =	stream.indirect_vreg.gather [hbm4b:s3+s2], $0x80, v3, vm0, $0xb8;
	[tilespmem:$0x10080] =	vst v63  }
0xb2: {  	_ = 	snop  }
0xb3: {  	[tilespmem:s17], [sflag:$0x1] =	stream.indirect_vreg.gather [hbm4b:s4+s2], $0x80, v3, vm0, $0xb8;
	[tilespmem:$0x10080] =	vst v63  }
0xb4: {  	_ = 	snop  }
0xb5: {  	[tilespmem:s9], [sflag:$0x1] =	stream.indirect_vreg.gather [hbm4b:s5+s2], $0x80, v3, vm0, $0xb8;
	[tilespmem:$0x10080] =	vst v63  }
0xb6: {  	s19 =	simm.s32 $0xB880  }
0xb7: {  	[tilespmem:s19], [sflag:$0x1] =	stream.indirect_vreg.gather [hbm4b:s6+s2], $0x80, v3, vm0, $0xb8;
	[tilespmem:$0x10080] =	vst v63  }
0xb8: {  	v3 =	vld [tilespmem:$0x30];
	_ =	sdelay $0x4  }
0xb9: {  	v63 =	vshll.u32 v3, $0x3  }
0xba: {  	v3 =	vand.u32 $0x7, v3;
	v4 =	vand.u32 $0xFFFFFFC0, v63  }
0xbb: {  	v3 =	vor.u32 v3, v4  }
0xbc: {  	v4 =	vperm.xlane v3, v0;
	_ =	sdelay $0x1  }
0xbd: {  	v4 =	vadd.s32 v1, v4;
	_ =	sdelay $0x3  }
0xbe: {  	s19 =	simm.s32 $0xC080  }
0xbf: {  	[tilespmem:s19], [sflag:$0x1] =	stream.indirect_vreg.gather [hbm4b:s3+s2], $0x80, v4, vm0, $0xb8;
	[tilespmem:$0x10080] =	vst v63  }
0xc0: {  	v3 =	vperm.xlane v3, v2;
	s19 =	simm.s32 $0xC880  }
0xc1: {  	[tilespmem:s19], [sflag:$0x1] =	stream.indirect_vreg.gather [hbm4b:s4+s2], $0x80, v4, vm0, $0xb8;
	[tilespmem:$0x10080] =	vst v63  }
0xc2: {  	v3 =	vadd.s32 v1, v3;
	s19 =	simm.s32 $0xD080  }
0xc3: {  	[tilespmem:s19], [sflag:$0x1] =	stream.indirect_vreg.gather [hbm4b:s5+s2], $0x80, v4, vm0, $0xb8;
	[tilespmem:$0x10080] =	vst v63  }
0xc4: {  	s19 =	simm.s32 $0xD880  }
0xc5: {  	[tilespmem:s19], [sflag:$0x1] =	stream.indirect_vreg.gather [hbm4b:s6+s2], $0x80, v4, vm0, $0xb8;
	[tilespmem:$0x10080] =	vst v63  }
0xc6: {  	s19 =	simm.s32 $0xE080  }
0xc7: {  	[tilespmem:s19], [sflag:$0x1] =	stream.indirect_vreg.gather [hbm4b:s3+s2], $0x80, v3, vm0, $0xb8;
	[tilespmem:$0x10080] =	vst v63  }
0xc8: {  	s19 =	simm.s32 $0xE880  }
0xc9: {  	[tilespmem:s19], [sflag:$0x1] =	stream.indirect_vreg.gather [hbm4b:s4+s2], $0x80, v3, vm0, $0xb8;
	[tilespmem:$0x10080] =	vst v63  }
0xca: {  	s19 =	simm.s32 $0xF080  }
0xcb: {  	[tilespmem:s19], [sflag:$0x1] =	stream.indirect_vreg.gather [hbm4b:s5+s2], $0x80, v3, vm0, $0xb8;
	[tilespmem:$0x10080] =	vst v63  }
0xcc: {  	s19 =	simm.s32 $0xF880  }
0xcd: {  	[tilespmem:s19], [sflag:$0x1] =	stream.indirect_vreg.gather [hbm4b:s6+s2], $0x80, v3, vm0, $0xb8;
	[tilespmem:$0x10080] =	vst v63  }
0xce: {  	_ =	swait.ge [sflag:s18], $0x10000  }
0xcf: {  	p0 =	sne.s32 s7, $0x1;
	[sflag:s18] =	ssyncset.done $0x0  }
.Ltmp0:
0xd0: {  	s1 =	rddreg [dreg:$0x6];
	[sflag:s18] =	ssyncadd.s32 $0xFFFF0000;
	(pc) =	sbr.rel @p0 .LBB2_1-.Ltmp0, $4  }
0xd1: {  	[hbm4b:s1+s2] =	stream.linear.scatter [tilespmem:s0], [sflag:$0x2], $0x10000, $0x38;
	[tilespmem:$0x10080] =	vst v63  }
0xd2: {  	_ =	swait.ge [sflag:s8], $0x10000  }
0xd3: {  	[sflag:s8] =	ssyncset.done $0x0  }
0xd4: {  	s7 =	sadd.s32 $0xFFFFFFFF, s7;
	[sflag:s8] =	ssyncadd.s32 $0xFFFF0000  }
0xd5: {  	_ =	sfence.sel $0x180000  }
0xd6: {  	[bflag:$0x0] =	sbarrier.arrive $0xFFFF  }
0xd7: {  	_ =	strace $0x9000004A  }
0xd8: {  	s0 =	stileid.u32;
	[bflag:$0x2] =	sbarrier.arrive $0xFFFF  }
0xd9: {  	p0 =	sne.s32 s0, $0x0;
	s0 =	rddreg [dreg:$0x2]  }
0xda: {  	s0 =	sadd.s32 @!p0 $0x100000, s0  }
0xdb: {  	[sflag:s0] =	ssyncadd.tile.s32 @!p0 $0x1;
	_ =	shalt  }
.Lfunc_end2:
_tile_overlayer_lowered:
.L_overlay_start_2:
0xdc: {  	(tag) =	ssettag $0x2  }
0xdd: {  	s0 =	rddreg [dreg:$0x0];
	s2 =	stileid.u32  }
0xde: {  	s1 =	rddreg [dreg:$0x1];
	p0 =	sne.s32 s2, $0x0  }
0xdf: {  	s3 =	rddreg [dreg:$0x2];
	[bflag:$0x3] =	sbarrier.arrive $0xFFFF;
	s2 =	simm.s32 @!p0 $0x1C02  }
0xe0: {  	[timem:s3], [sflag:s2] =	dma.local @!p0 [hbm:s0], s1  }
0xe1: {  	s0 =	simm.s32 @!p0 $0x2  }
0xe2: {  	_ =	swait.ge @!p0 [sflag:s0], s1  }
0xe3: {  	s1 =	ssub.s32 @!p0 $0x0, s1;
	[sflag:s0] =	ssyncset.done @!p0 $0x0  }
0xe4: {  	[sflag:s0] =	ssyncadd.s32 @!p0 s1  }
0xe5: {  	[bflag:$0x3] =	sbarrier.arrive $0xFFFF  }
0xe6: {  	_ =	shalt  }

// kernel: kernel.7.cloned.1.call-start
scs
__scs_entry_jumppad:
0x0: {  	(pc) =	sbr.rel $0x88, $3  }
0x1: {  	(tag) =	ssettag $0x0;
	lr =	simm.s32 $0x1  }
0x2: {  	[smem:$0x3F96] =	sst lr;
	_ =	strace $0xD0000000  }
0x3: {  	_ = 	snop  }
0x4: {  	_ = 	snop  }
0x5: {  	_ = 	snop  }
0x6: {  	_ = 	snop  }
0x7: {  	_ = 	snop  }
__scs_overlays_trampoline_lowered:
0x8: {  	[smem:$0x3FA5] =	sst s0  }
0x9: {  	[smem:$0x3FA6] =	sst s1  }
0xa: {  	[smem:$0x3FA7] =	sst s2  }
0xb: {  	[smem:$0x3FA8] =	sst s3  }
0xc: {  	[smem:$0x3FA9] =	sst s4  }
0xd: {  	[smem:$0x3FAA] =	sst s5  }
0xe: {  	[smem:$0x3FAB] =	sst s6  }
0xf: {  	[smem:$0x3FAC] =	sst s7  }
0x10: {  	[smem:$0x3FAD] =	sst s8  }
0x11: {  	[smem:$0x3FAE] =	sst s9;
	s0 =	simm.s32 @!p0 $0x0  }
0x12: {  	s1 =	sld [smem:$0x3F94];
	s0 =	simm.s32 @p0 $0x1  }
0x13: {  	[smem:$0x3FAF] =	sst s0;
	s0 =	simm.s32 @!p1 $0x0  }
0x14: {  	s2 =	sld [smem:$0x3F93];
	s0 =	simm.s32 @p1 $0x1  }
0x15: {  	[smem:$0x3FB0] =	sst s0;
	s0 =	simm.s32 @!p2 $0x0  }
0x16: {  	s3 =	sld [smem:$0x3FDB];
	s0 =	simm.s32 @p2 $0x1  }
0x17: {  	s4 =	simm.s32 $0x1BF5;
	[smem:$0x3FB2] =	sst s0  }
0x18: {  	s0 =	sld [smem:$0x3F95];
	_ =	swait.ge [sflag:s4], $0x0  }
0x19: {  	s7 =	sld [smem:$0x3F96]  }
0x1a: {  	s8 =	sadd.s32 $0xFFFFE003, lr  }
0x1b: {  	s9 =	sadd.s32 $0xFFFFFEF7, lr;
	s5 =	simm.s32 $0xFFFFFFFF;
	p2 =	slt.u32 s8, $0xFFFFF086  }
0x1c: {  	p1 =	slt.u32 s9, $0xF7A;
	s5 =	simm.s32 @!p2 $0x0  }
0x1d: {  	s5 =	simm.s32 @p1 $0x1;
	p0 =	seq.s32 s7, s2  }
0x1e: {  	s7 =	smul.u32 @!p0 $0xF7A, s2;
	p2 =	seq.s32 @!p0 s5, $0x0  }
0x1f: {  	s9 =	smul.u32 $0xF7A, s1;
	s8 =	simm.s32 @!p0 $0x1BF5;
	p2 =	por !p2, p0  }
0x20: {  	[sflag:s8] =	ssyncset.s32 @!p0 $0xFFFFF086;
	s6 =	sadd.s32 @!p0 s3, s7;
	s7 =	simm.s32 @!p0 $0x108  }
0x21: {  	s3 =	sadd.s32 s3, s9;
	s6 =	sadd.s32 @!p0 $0x88, s6;
	s7 =	simm.s32 @p2 $0x1082  }
0x22: {  	[simem:s7], [sflag:s8] =	dma.local @!p0 [hbm:s6], $0xF7A  }
0x23: {  	s9 =	sor.u32 $0xD0000000, s2;
	s6 =	simm.s32 $0x108;
	_ =	swait.ge @!p0 [sflag:s8], $0x0  }
0x24: {  	s3 =	sadd.s32 $0x88, s3;
	s6 =	simm.s32 @!p1 $0x1082;
	[sflag:s4] =	ssyncset.s32 $0xFFFFF086  }
0x25: {  	[simem:s6], [sflag:s4] =	dma.local [hbm:s3], $0xF7A  }
0x26: {  	[smem:$0x3F96] =	sst s1;
	(tag) =	ssettag s2;
	_ =	strace s9  }
0x27: {  	s1 =	sld [smem:$0x3FA6]  }
0x28: {  	s2 =	sld [smem:$0x3FA7]  }
0x29: {  	s4 =	sld [smem:$0x3FA9]  }
0x2a: {  	p0 =	seq.s32 s5, $0x0;
	s5 =	sld [smem:$0x3FAA]  }
0x2b: {  	s6 =	sld [smem:$0x3FAB]  }
0x2c: {  	s7 =	sld [smem:$0x3FAC]  }
0x2d: {  	s3 =	simm.s32 $0x108;
	s8 =	sld [smem:$0x3FAD]  }
0x2e: {  	s3 =	simm.s32 @!p0 $0x1082;
	s9 =	sld [smem:$0x3FAE]  }
0x2f: {  	lr =	sadd.s32 s0, s3;
	s0 =	sld [smem:$0x3FA5]  }
0x30: {  	s3 =	sld [smem:$0x3FA8]  }
0x31: {  	[smem:$0x3FB1] =	sst s10  }
0x32: {  	s10 =	sld [smem:$0x3FAF];
	_ =	sdelay $0x3  }
0x33: {  	p0 =	seq.s32 s10, $0x1;
	s10 =	sld [smem:$0x3FB1];
	_ =	sdelay $0x3  }
0x34: {  	[smem:$0x3FB1] =	sst s10  }
0x35: {  	s10 =	sld [smem:$0x3FB0];
	_ =	sdelay $0x3  }
0x36: {  	p1 =	seq.s32 s10, $0x1;
	s10 =	sld [smem:$0x3FB1];
	_ =	sdelay $0x3  }
0x37: {  	[smem:$0x3FB1] =	sst s10  }
0x38: {  	s10 =	sld [smem:$0x3FB2]  }
0x39: {  	_ = 	snop;
	(pc) =	sbr.ind lr, $3  }
0x3a: {  	_ = 	snop  }
0x3b: {  	_ = 	snop  }
0x3c: {  	p2 =	seq.s32 s10, $0x1;
	s10 =	sld [smem:$0x3FB1]  }
0x3d: {  	_ =	shalt  }
0x3e: {  	_ =	shalt  }
0x3f: {  	_ =	shalt  }
0x40: {  	_ =	shalt  }
0x41: {  	_ =	shalt  }
0x42: {  	_ =	shalt  }
0x43: {  	_ =	shalt  }
0x44: {  	_ =	shalt  }
0x45: {  	_ =	shalt  }
0x46: {  	_ =	shalt  }
0x47: {  	_ =	shalt  }
0x48: {  	_ =	shalt  }
0x49: {  	_ =	shalt  }
0x4a: {  	_ =	shalt  }
0x4b: {  	_ =	shalt  }
0x4c: {  	_ =	shalt  }
0x4d: {  	_ =	shalt  }
0x4e: {  	_ =	shalt  }
0x4f: {  	_ =	shalt  }
0x50: {  	_ =	shalt  }
0x51: {  	_ =	shalt  }
0x52: {  	_ =	shalt  }
0x53: {  	_ =	shalt  }
0x54: {  	_ =	shalt  }
0x55: {  	_ =	shalt  }
0x56: {  	_ =	shalt  }
0x57: {  	_ =	shalt  }
0x58: {  	_ =	shalt  }
0x59: {  	_ =	shalt  }
0x5a: {  	_ =	shalt  }
0x5b: {  	_ =	shalt  }
0x5c: {  	_ =	shalt  }
0x5d: {  	_ =	shalt  }
0x5e: {  	_ =	shalt  }
0x5f: {  	_ =	shalt  }
0x60: {  	_ =	shalt  }
0x61: {  	_ =	shalt  }
0x62: {  	_ =	shalt  }
0x63: {  	_ =	shalt  }
0x64: {  	_ =	shalt  }
0x65: {  	_ =	shalt  }
0x66: {  	_ =	shalt  }
0x67: {  	_ =	shalt  }
0x68: {  	_ =	shalt  }
0x69: {  	_ =	shalt  }
0x6a: {  	_ =	shalt  }
0x6b: {  	_ =	shalt  }
0x6c: {  	_ =	shalt  }
0x6d: {  	_ =	shalt  }
0x6e: {  	_ =	shalt  }
0x6f: {  	_ =	shalt  }
0x70: {  	_ =	shalt  }
0x71: {  	_ =	shalt  }
0x72: {  	_ =	shalt  }
0x73: {  	_ =	shalt  }
0x74: {  	_ =	shalt  }
0x75: {  	_ =	shalt  }
0x76: {  	_ =	shalt  }
0x77: {  	_ =	shalt  }
0x78: {  	_ =	shalt  }
0x79: {  	_ =	shalt  }
0x7a: {  	_ =	shalt  }
0x7b: {  	_ =	shalt  }
0x7c: {  	_ =	shalt  }
0x7d: {  	_ =	shalt  }
0x7e: {  	_ =	shalt  }
0x7f: {  	_ =	shalt  }
0x80: {  	_ =	shalt  }
0x81: {  	_ =	shalt  }
0x82: {  	_ =	shalt  }
0x83: {  	_ =	shalt  }
0x84: {  	_ =	shalt  }
0x85: {  	_ =	shalt  }
0x86: {  	_ =	shalt  }
0x87: {  	_ =	shalt  }
.Lfunc_end0:
.L_simem_size_0:
called_computation_lowered:
.L_overlay_start_0:
0x88: {  	s2 =	sld [smem:$0x3FD9]  }
0x89: {  	s3 =	sld [smem:$0x3FFE];
	_ =	sdelay $0x1  }
0x8a: {  	s1 =	srdreg.scid  }
0x8b: {  	s0 =	sand.u32 $0x1, s1  }
0x8c: {  	s17 =	sshll.u32 s0, $0xA;
	s2 =	sadd.s32 s3, s2  }
0x8d: {  	s2 =	sadd.s32 s2, s17  }
0x8e: {  	[smem:$0x3FBD] =	sst s2  }
0x8f: {  	_ = 	snop  }
0x90: {  	s2 =	sld [smem:$0x3FC9];
	(tm) =	ssettm $0x1  }
0x91: {  	s18 =	sld [smem:$0x3FFB];
	_ =	sdelay $0x3  }
0x92: {  	_ =	strace s18  }
0x93: {  	s3 =	sld [smem:$0x3FFC];
	_ =	sdelay $0x3  }
0x94: {  	_ =	strace s3  }
0x95: {  	s3 =	sld [smem:$0x3FFD];
	_ =	sdelay $0x3  }
0x96: {  	_ =	strace s3  }
0x97: {  	_ =	strace $0x8FFFFFFF  }
0x98: {  	s19 =	sld [smem:$0x3FDB];
	_ =	sdelay $0x1  }
0x99: {  	s4 =	simm.s32 $_scs_section_size  }
0x9a: {  	s5 =	simm.s32 $_size__tile_overlayer_lowered;
	s6 =	simm.s32 $_tile_overlayer_lowered  }
0x9b: {  	s22 =	simm.s32 $0x1BFF;
	s21 =	sshll.u32 s6, $0x1;
	s3 =	sadd.s32 s4, s19  }
0x9c: {  	s7 =	simm.s32 $0x0;
	s20 =	sshll.u32 s5, $0x1;
	s5 =	sadd.s32 s21, s3  }
0x9d: {  	[timem:s7], [sflag:s22] =	dma.local [hbm:s5], s20  }
0x9e: {  	_ =	swait.ge [sflag:s22], s20  }
0x9f: {  	s4 =	ssub.s32 $0x0, s20;
	[sflag:s22] =	ssyncset.done $0x0  }
0xa0: {  	[sflag:s22] =	ssyncadd.s32 s4;
	_ =	sdelay $0x1  }
0xa1: {  	s23 =	simm.s32 $0x1B8B  }
0xa2: {  	_ =	swait.ge [sflag:s23], $0x1  }
0xa3: {  	[sflag:s23] =	ssyncset.done $0x0  }
0xa4: {  	s25 =	simm.s32 $0x1B8E;
	s24 =	sld [smem:$0x3FFE];
	[sflag:s23] =	ssyncadd.s32 $0xFFFFFFFF  }
0xa5: {  	s26 =	simm.s32 $execute0_lowered;
	[smem:$0x3FD2] =	sst s25  }
0xa6: {  	s5 =	sshll.u32 s26, $0x1;
	_ =	strace $0x80000046;
	[dreg:$0x1] =	wrdreg $0xFFFFFFFF  }
0xa7: {  	s28 =	simm.s32 $_size_execute0_lowered;
	s3 =	sadd.s32 s3, s5;
	[dreg:$0x0] =	wrdreg $0x0  }
0xa8: {  	s5 =	sshll.u32 s28, $0x1;
	[dreg:$0x2] =	wrdreg s3  }
0xa9: {  	[dreg:$0x3] =	wrdreg s5  }
0xaa: {  	[dreg:$0x4] =	wrdreg $0xC0  }
0xab: {  	_ =	task [dreg:s7], $0x5FFFF  }
0xac: {  	[dreg:$0x1] =	wrdreg $0xFFFFFFFF  }
0xad: {  	[dreg:$0x0] =	wrdreg $0x60  }
0xae: {  	[dreg:$0x2] =	wrdreg s2  }
0xaf: {  	[dreg:$0x3] =	wrdreg s24  }
0xb0: {  	[dreg:$0x4] =	wrdreg $0x9  }
0xb1: {  	_ =	task.clear_ibuf [dreg:s7], $0x5FFFF;
	_ =	strace $0x90000046  }
0xb2: {  	s29 =	simm.s32 $0x9;
	_ =	strace $0x80000048  }
0xb3: {  	_ =	swait.ge [sflag:s29], $0x1  }
0xb4: {  	[sflag:s29] =	ssyncadd.s32 $0xFFFFFFFF  }
0xb5: {  	_ =	strace $0x90000048  }
0xb6: {  	_ =	sfence  }
0xb7: {  	s30 =	sld [smem:$0x0];
	_ =	sdelay $0x2  }
0xb8: {  	s31 =	sshll.u32 s1, $0xD;
	s1 =	sshrl.u32 s1, $0x2  }
0xb9: {  	s3 =	sand.u32 $0x4000, s31;
	s1 =	sadd.s32 s1, s30  }
0xba: {  	s0 =	sor.u32 s3, s0;
	s1 =	sshll.u32 s1, $0x11  }
0xbb: {  	s0 =	sor.u32 s1, s0  }
0xbc: {  	s0 =	sadd.s32 $0x8F2B, s0  }
0xbd: {  	[sflag:s0] =	ssyncadd.remote.s32 $0x1  }
0xbe: {  	_ =	sfence.sel $0xFFFF  }
0xbf: {  	[dreg:$0x0] =	wrdreg $0xFFFFFFFF;
	(pc) =	sbr.abs _section_cstart, $3  }
0xc0: {  	[dreg:$0x1] =	wrdreg $0xFFFFFFFF  }
0xc1: {  	_ =	task.clear_ibuf [dreg:s7], $0x2FFFF;
	_ =	strace $0x9FFFFFFF  }
0xc2: {  	(tm) =	ssettm $0x7FFFFFFF  }
0xc3: {  	_ =	shalt  }
tec
execute0_lowered:
.L_overlay_start_1:
0x0: {  	(tag) =	ssettag $0x1  }
0x1: {  	s0 =	srdreg.scid  }
0x2: {  	s1 =	rddreg [dreg:$0x0];
	s2 =	stileid.u32  }
0x3: {  	s6 =	rddreg [dreg:$0x1];
	s26 =	simm.s32 $0x80;
	s18 =	simm.s32 $0x100  }
0x4: {  	s22 =	simm.s32 $0x1900;
	s23 =	simm.s32 $0x2100;
	s24 =	simm.s32 $0x2900  }
0x5: {  	s25 =	simm.s32 $0x3100;
	s28 =	simm.s32 $0x4100;
	s29 =	simm.s32 $0x4900  }
0x6: {  	s30 =	simm.s32 $0x5100;
	s31 =	simm.s32 $0x5900;
	s10 =	simm.s32 $0x7100  }
0x7: {  	s11 =	simm.s32 $0x7900;
	s12 =	simm.s32 $0x8100;
	s13 =	simm.s32 $0x8900  }
0x8: {  	s14 =	simm.s32 $0x9100;
	s15 =	simm.s32 $0x9900;
	s16 =	simm.s32 $0xA100  }
0x9: {  	s17 =	simm.s32 $0xA900;
	s9 =	simm.s32 $0xB100;
	s19 =	simm.s32 $0xB900  }
0xa: {  	s0 =	sand.u32 $0x1, s0;
	s3 =	sshll.u32 s2, $0x7;
	s2 =	simm.s32 $0x0  }
0xb: {  	s4 =	sshll.u32 s0, $0x6;
	[smem:$0x7FF] =	sst s2;
	s0 =	ssub.s32 $0x2, s0  }
0xc: {  	s4 =	sor.u32 s4, s3;
	_ =	strace $0x80000047;
	s7 =	sshrl.u32 s0, $0x1  }
0xd: {  	[dreg:$0x6] =	wrdreg s26;
	s3 =	sshrl.u32 s4, $0x3;
	s4 =	sshll.u32 s4, $0x7  }
0xe: {  	s26 =	simm.s32 $0x3900;
	s5 =	sadd.s32 s3, s6;
	s1 =	sadd.s32 s1, s4  }
0xf: {  	s0 =	ssub.s32 s0, s7;
	s8 =	sadd.s32 $0x1000, s5;
	[dreg:$0x5] =	wrdreg s1  }
0x10: {  	v2 =	vlaneseq.u32;
	s3 =	sadd.s32 $0x1400, s6;
	s5 =	sadd.s32 $0x1200, s5;
	[dreg:$0x3] =	wrdreg s8  }
0x11: {  	vm0 =	vmmov $0xffff;
	v1 =	vshrl.u32 v2, $0x3;
	s4 =	sadd.s32 $0x1500, s6;
	s7 =	smax.u32 s0, $0x1;
	[dreg:$0x4] =	wrdreg s5  }
0x12: {  	v0 =	vand.u32 $0x7, v2;
	v2 =	vor.u32 $0x8, v2;
	v1 =	vmul.u32 $0x8, v1;
	s5 =	sadd.s32 $0x1600, s6;
	s6 =	sadd.s32 $0x1700, s6;
	s8 =	simm.s32 $0x3  }
.LBB2_1:
0x13: {  	s20 =	rddreg [dreg:$0x3]  }
0x14: {  	[tilespmem:s2], [sflag:$0x3] =	stream.linear.gather [hbm4b:s20+s2], $0x40, $0x38;
	[tilespmem:$0x10100] =	vst v63  }
0x15: {  	_ =	swait.ge [sflag:s8], $0x40  }
0x16: {  	s0 =	rddreg [dreg:$0x4];
	[sflag:s8] =	ssyncset.done $0x0  }
0x17: {  	s21 =	rddreg [dreg:$0x6];
	[sflag:s8] =	ssyncadd.s32 $0xFFFFFFC0  }
0x18: {  	[tilespmem:s21], [sflag:$0x3] =	stream.linear.gather [hbm4b:s0+s2], $0x40, $0x38;
	[tilespmem:$0x10100] =	vst v63  }
0x19: {  	_ =	swait.ge [sflag:s8], $0x40  }
0x1a: {  	[sflag:s8] =	ssyncset.done $0x0  }
0x1b: {  	s1 =	rddreg [dreg:$0x5];
	[sflag:s8] =	ssyncadd.s32 $0xFFFFFFC0  }
0x1c: {  	[tilespmem:s18], [sflag:$0x3] =	stream.linear.gather [hbm4b:s1+s2], $0x10000, $0x38;
	[tilespmem:$0x10100] =	vst v63  }
0x1d: {  	_ =	swait.ge [sflag:s8], $0x10000  }
0x1e: {  	[sflag:s8] =	ssyncset.done $0x0  }
0x1f: {  	[sflag:s8] =	ssyncadd.s32 $0xFFFF0000  }
0x20: {  	v3 =	vld [tilespmem:$0x0];
	_ =	sdelay $0x4  }
0x21: {  	v4 =	vshll.u32 v3, $0x3  }
0x22: {  	v3 =	vand.u32 $0x7, v3;
	v4 =	vand.u32 $0xFFFFFFC0, v4  }
0x23: {  	v3 =	vor.u32 v3, v4  }
0x24: {  	v4 =	vperm.xlane v3, v0;
	_ =	sdelay $0x1  }
0x25: {  	v4 =	vadd.s32 v1, v4;
	_ =	sdelay $0x4  }
0x26: {  	[hbm4b:s3+s2] =	stream.indirect_vreg.scatter [tilespmem:s18], [sflag:$0x1], $0x80, v4, vm0, $0xb8;
	[tilespmem:$0x10100] =	vst v63  }
0x27: {  	s20 =	simm.s32 $0x900;
	v3 =	vperm.xlane v3, v2  }
0x28: {  	[hbm4b:s4+s2] =	stream.indirect_vreg.scatter [tilespmem:s20], [sflag:$0x1], $0x80, v4, vm0, $0xb8;
	[tilespmem:$0x10100] =	vst v63  }
0x29: {  	s21 =	simm.s32 $0x1100;
	v3 =	vadd.s32 v1, v3  }
0x2a: {  	[hbm4b:s5+s2] =	stream.indirect_vreg.scatter [tilespmem:s21], [sflag:$0x1], $0x80, v4, vm0, $0xb8;
	[tilespmem:$0x10100] =	vst v63  }
0x2b: {  	_ = 	snop  }
0x2c: {  	[hbm4b:s6+s2] =	stream.indirect_vreg.scatter [tilespmem:s22], [sflag:$0x1], $0x80, v4, vm0, $0xb8;
	[tilespmem:$0x10100] =	vst v63  }
0x2d: {  	_ = 	snop  }
0x2e: {  	[hbm4b:s3+s2] =	stream.indirect_vreg.scatter [tilespmem:s23], [sflag:$0x1], $0x80, v3, vm0, $0xb8;
	[tilespmem:$0x10100] =	vst v63  }
0x2f: {  	_ = 	snop  }
0x30: {  	[hbm4b:s4+s2] =	stream.indirect_vreg.scatter [tilespmem:s24], [sflag:$0x1], $0x80, v3, vm0, $0xb8;
	[tilespmem:$0x10100] =	vst v63  }
0x31: {  	_ = 	snop  }
0x32: {  	[hbm4b:s5+s2] =	stream.indirect_vreg.scatter [tilespmem:s25], [sflag:$0x1], $0x80, v3, vm0, $0xb8;
	[tilespmem:$0x10100] =	vst v63  }
0x33: {  	_ = 	snop  }
0x34: {  	[hbm4b:s6+s2] =	stream.indirect_vreg.scatter [tilespmem:s26], [sflag:$0x1], $0x80, v3, vm0, $0xb8;
	[tilespmem:$0x10100] =	vst v63  }
0x35: {  	v3 =	vld [tilespmem:$0x10];
	_ =	sdelay $0x4  }
0x36: {  	v57 =	vshll.u32 v3, $0x3  }
0x37: {  	v3 =	vand.u32 $0x7, v3;
	v4 =	vand.u32 $0xFFFFFFC0, v57  }
0x38: {  	v3 =	vor.u32 v3, v4  }
0x39: {  	v4 =	vperm.xlane v3, v0;
	_ =	sdelay $0x1  }
0x3a: {  	v4 =	vadd.s32 v1, v4;
	_ =	sdelay $0x4  }
0x3b: {  	[hbm4b:s3+s2] =	stream.indirect_vreg.scatter [tilespmem:s28], [sflag:$0x1], $0x80, v4, vm0, $0xb8;
	[tilespmem:$0x10100] =	vst v63  }
0x3c: {  	v3 =	vperm.xlane v3, v2  }
0x3d: {  	[hbm4b:s4+s2] =	stream.indirect_vreg.scatter [tilespmem:s29], [sflag:$0x1], $0x80, v4, vm0, $0xb8;
	[tilespmem:$0x10100] =	vst v63  }
0x3e: {  	v3 =	vadd.s32 v1, v3  }
0x3f: {  	[hbm4b:s5+s2] =	stream.indirect_vreg.scatter [tilespmem:s30], [sflag:$0x1], $0x80, v4, vm0, $0xb8;
	[tilespmem:$0x10100] =	vst v63  }
0x40: {  	_ = 	snop  }
0x41: {  	[hbm4b:s6+s2] =	stream.indirect_vreg.scatter [tilespmem:s31], [sflag:$0x1], $0x80, v4, vm0, $0xb8;
	[tilespmem:$0x10100] =	vst v63  }
0x42: {  	s1 =	simm.s32 $0x6100  }
0x43: {  	[hbm4b:s3+s2] =	stream.indirect_vreg.scatter [tilespmem:s1], [sflag:$0x1], $0x80, v3, vm0, $0xb8;
	[tilespmem:$0x10100] =	vst v63  }
0x44: {  	s0 =	simm.s32 $0x6900  }
0x45: {  	[hbm4b:s4+s2] =	stream.indirect_vreg.scatter [tilespmem:s0], [sflag:$0x1], $0x80, v3, vm0, $0xb8;
	[tilespmem:$0x10100] =	vst v63  }
0x46: {  	_ = 	snop  }
0x47: {  	[hbm4b:s5+s2] =	stream.indirect_vreg.scatter [tilespmem:s10], [sflag:$0x1], $0x80, v3, vm0, $0xb8;
	[tilespmem:$0x10100] =	vst v63  }
0x48: {  	_ = 	snop  }
0x49: {  	[hbm4b:s6+s2] =	stream.indirect_vreg.scatter [tilespmem:s11], [sflag:$0x1], $0x80, v3, vm0, $0xb8;
	[tilespmem:$0x10100] =	vst v63  }
0x4a: {  	v3 =	vld [tilespmem:$0x20];
	_ =	sdelay $0x4  }
0x4b: {  	v58 =	vshll.u32 v3, $0x3  }
0x4c: {  	v3 =	vand.u32 $0x7, v3;
	v4 =	vand.u32 $0xFFFFFFC0, v58  }
0x4d: {  	v3 =	vor.u32 v3, v4  }
0x4e: {  	v4 =	vperm.xlane v3, v0;
	_ =	sdelay $0x1  }
0x4f: {  	v4 =	vadd.s32 v1, v4;
	_ =	sdelay $0x4  }
0x50: {  	[hbm4b:s3+s2] =	stream.indirect_vreg.scatter [tilespmem:s12], [sflag:$0x1], $0x80, v4, vm0, $0xb8;
	[tilespmem:$0x10100] =	vst v63  }
0x51: {  	v3 =	vperm.xlane v3, v2  }
0x52: {  	[hbm4b:s4+s2] =	stream.indirect_vreg.scatter [tilespmem:s13], [sflag:$0x1], $0x80, v4, vm0, $0xb8;
	[tilespmem:$0x10100] =	vst v63  }
0x53: {  	v3 =	vadd.s32 v1, v3  }
0x54: {  	[hbm4b:s5+s2] =	stream.indirect_vreg.scatter [tilespmem:s14], [sflag:$0x1], $0x80, v4, vm0, $0xb8;
	[tilespmem:$0x10100] =	vst v63  }
0x55: {  	_ = 	snop  }
0x56: {  	[hbm4b:s6+s2] =	stream.indirect_vreg.scatter [tilespmem:s15], [sflag:$0x1], $0x80, v4, vm0, $0xb8;
	[tilespmem:$0x10100] =	vst v63  }
0x57: {  	_ = 	snop  }
0x58: {  	[hbm4b:s3+s2] =	stream.indirect_vreg.scatter [tilespmem:s16], [sflag:$0x1], $0x80, v3, vm0, $0xb8;
	[tilespmem:$0x10100] =	vst v63  }
0x59: {  	_ = 	snop  }
0x5a: {  	[hbm4b:s4+s2] =	stream.indirect_vreg.scatter [tilespmem:s17], [sflag:$0x1], $0x80, v3, vm0, $0xb8;
	[tilespmem:$0x10100] =	vst v63  }
0x5b: {  	_ = 	snop  }
0x5c: {  	[hbm4b:s5+s2] =	stream.indirect_vreg.scatter [tilespmem:s9], [sflag:$0x1], $0x80, v3, vm0, $0xb8;
	[tilespmem:$0x10100] =	vst v63  }
0x5d: {  	_ = 	snop  }
0x5e: {  	[hbm4b:s6+s2] =	stream.indirect_vreg.scatter [tilespmem:s19], [sflag:$0x1], $0x80, v3, vm0, $0xb8;
	[tilespmem:$0x10100] =	vst v63  }
0x5f: {  	v3 =	vld [tilespmem:$0x30];
	_ =	sdelay $0x4  }
0x60: {  	v59 =	vshll.u32 v3, $0x3  }
0x61: {  	v3 =	vand.u32 $0x7, v3;
	v4 =	vand.u32 $0xFFFFFFC0, v59  }
0x62: {  	v3 =	vor.u32 v3, v4  }
0x63: {  	v4 =	vperm.xlane v3, v0;
	_ =	sdelay $0x1  }
0x64: {  	v4 =	vadd.s32 v1, v4;
	_ =	sdelay $0x3  }
0x65: {  	s0 =	simm.s32 $0xC100  }
0x66: {  	[hbm4b:s3+s2] =	stream.indirect_vreg.scatter [tilespmem:s0], [sflag:$0x1], $0x80, v4, vm0, $0xb8;
	[tilespmem:$0x10100] =	vst v63  }
0x67: {  	v3 =	vperm.xlane v3, v2;
	s0 =	simm.s32 $0xC900  }
0x68: {  	[hbm4b:s4+s2] =	stream.indirect_vreg.scatter [tilespmem:s0], [sflag:$0x1], $0x80, v4, vm0, $0xb8;
	[tilespmem:$0x10100] =	vst v63  }
0x69: {  	v3 =	vadd.s32 v1, v3;
	s0 =	simm.s32 $0xD100  }
0x6a: {  	[hbm4b:s5+s2] =	stream.indirect_vreg.scatter [tilespmem:s0], [sflag:$0x1], $0x80, v4, vm0, $0xb8;
	[tilespmem:$0x10100] =	vst v63  }
0x6b: {  	s0 =	simm.s32 $0xD900  }
0x6c: {  	[hbm4b:s6+s2] =	stream.indirect_vreg.scatter [tilespmem:s0], [sflag:$0x1], $0x80, v4, vm0, $0xb8;
	[tilespmem:$0x10100] =	vst v63  }
0x6d: {  	s0 =	simm.s32 $0xE100  }
0x6e: {  	[hbm4b:s3+s2] =	stream.indirect_vreg.scatter [tilespmem:s0], [sflag:$0x1], $0x80, v3, vm0, $0xb8;
	[tilespmem:$0x10100] =	vst v63  }
0x6f: {  	s0 =	simm.s32 $0xE900  }
0x70: {  	[hbm4b:s4+s2] =	stream.indirect_vreg.scatter [tilespmem:s0], [sflag:$0x1], $0x80, v3, vm0, $0xb8;
	[tilespmem:$0x10100] =	vst v63  }
0x71: {  	s0 =	simm.s32 $0xF100  }
0x72: {  	[hbm4b:s5+s2] =	stream.indirect_vreg.scatter [tilespmem:s0], [sflag:$0x1], $0x80, v3, vm0, $0xb8;
	[tilespmem:$0x10100] =	vst v63  }
0x73: {  	s0 =	simm.s32 $0xF900  }
0x74: {  	[hbm4b:s6+s2] =	stream.indirect_vreg.scatter [tilespmem:s0], [sflag:$0x1], $0x80, v3, vm0, $0xb8;
	[tilespmem:$0x10100] =	vst v63  }
0x75: {  	v3 =	vld [tilespmem:$0x80];
	_ =	sdelay $0x4  }
0x76: {  	v60 =	vshll.u32 v3, $0x3  }
0x77: {  	v3 =	vand.u32 $0x7, v3;
	v4 =	vand.u32 $0xFFFFFFC0, v60  }
0x78: {  	v3 =	vor.u32 v3, v4  }
0x79: {  	v4 =	vperm.xlane v3, v0;
	_ =	sdelay $0x1  }
0x7a: {  	v4 =	vadd.s32 v1, v4;
	_ =	sdelay $0x4  }
0x7b: {  	[hbm4b:s3+s2] =	stream.indirect_vreg.scatter [tilespmem:s18], [sflag:$0x2], $0x80, v4, vm0, $0xb8;
	[tilespmem:$0x10100] =	vst v63  }
0x7c: {  	v3 =	vperm.xlane v3, v2  }
0x7d: {  	[hbm4b:s4+s2] =	stream.indirect_vreg.scatter [tilespmem:s20], [sflag:$0x2], $0x80, v4, vm0, $0xb8;
	[tilespmem:$0x10100] =	vst v63  }
0x7e: {  	v3 =	vadd.s32 v1, v3  }
0x7f: {  	[hbm4b:s5+s2] =	stream.indirect_vreg.scatter [tilespmem:s21], [sflag:$0x2], $0x80, v4, vm0, $0xb8;
	[tilespmem:$0x10100] =	vst v63  }
0x80: {  	_ = 	snop  }
0x81: {  	[hbm4b:s6+s2] =	stream.indirect_vreg.scatter [tilespmem:s22], [sflag:$0x2], $0x80, v4, vm0, $0xb8;
	[tilespmem:$0x10100] =	vst v63  }
0x82: {  	_ = 	snop  }
0x83: {  	[hbm4b:s3+s2] =	stream.indirect_vreg.scatter [tilespmem:s23], [sflag:$0x2], $0x80, v3, vm0, $0xb8;
	[tilespmem:$0x10100] =	vst v63  }
0x84: {  	_ = 	snop  }
0x85: {  	[hbm4b:s4+s2] =	stream.indirect_vreg.scatter [tilespmem:s24], [sflag:$0x2], $0x80, v3, vm0, $0xb8;
	[tilespmem:$0x10100] =	vst v63  }
0x86: {  	_ = 	snop  }
0x87: {  	[hbm4b:s5+s2] =	stream.indirect_vreg.scatter [tilespmem:s25], [sflag:$0x2], $0x80, v3, vm0, $0xb8;
	[tilespmem:$0x10100] =	vst v63  }
0x88: {  	_ = 	snop  }
0x89: {  	[hbm4b:s6+s2] =	stream.indirect_vreg.scatter [tilespmem:s26], [sflag:$0x2], $0x80, v3, vm0, $0xb8;
	[tilespmem:$0x10100] =	vst v63  }
0x8a: {  	v3 =	vld [tilespmem:$0x90];
	_ =	sdelay $0x4  }
0x8b: {  	v61 =	vshll.u32 v3, $0x3  }
0x8c: {  	v3 =	vand.u32 $0x7, v3;
	v4 =	vand.u32 $0xFFFFFFC0, v61  }
0x8d: {  	v3 =	vor.u32 v3, v4  }
0x8e: {  	v4 =	vperm.xlane v3, v0;
	_ =	sdelay $0x1  }
0x8f: {  	v4 =	vadd.s32 v1, v4;
	_ =	sdelay $0x4  }
0x90: {  	[hbm4b:s3+s2] =	stream.indirect_vreg.scatter [tilespmem:s28], [sflag:$0x2], $0x80, v4, vm0, $0xb8;
	[tilespmem:$0x10100] =	vst v63  }
0x91: {  	v3 =	vperm.xlane v3, v2  }
0x92: {  	[hbm4b:s4+s2] =	stream.indirect_vreg.scatter [tilespmem:s29], [sflag:$0x2], $0x80, v4, vm0, $0xb8;
	[tilespmem:$0x10100] =	vst v63  }
0x93: {  	v3 =	vadd.s32 v1, v3  }
0x94: {  	[hbm4b:s5+s2] =	stream.indirect_vreg.scatter [tilespmem:s30], [sflag:$0x2], $0x80, v4, vm0, $0xb8;
	[tilespmem:$0x10100] =	vst v63  }
0x95: {  	_ = 	snop  }
0x96: {  	[hbm4b:s6+s2] =	stream.indirect_vreg.scatter [tilespmem:s31], [sflag:$0x2], $0x80, v4, vm0, $0xb8;
	[tilespmem:$0x10100] =	vst v63  }
0x97: {  	_ = 	snop  }
0x98: {  	[hbm4b:s3+s2] =	stream.indirect_vreg.scatter [tilespmem:s1], [sflag:$0x2], $0x80, v3, vm0, $0xb8;
	[tilespmem:$0x10100] =	vst v63  }
0x99: {  	s20 =	simm.s32 $0x6900  }
0x9a: {  	[hbm4b:s4+s2] =	stream.indirect_vreg.scatter [tilespmem:s20], [sflag:$0x2], $0x80, v3, vm0, $0xb8;
	[tilespmem:$0x10100] =	vst v63  }
0x9b: {  	_ = 	snop  }
0x9c: {  	[hbm4b:s5+s2] =	stream.indirect_vreg.scatter [tilespmem:s10], [sflag:$0x2], $0x80, v3, vm0, $0xb8;
	[tilespmem:$0x10100] =	vst v63  }
0x9d: {  	_ = 	snop  }
0x9e: {  	[hbm4b:s6+s2] =	stream.indirect_vreg.scatter [tilespmem:s11], [sflag:$0x2], $0x80, v3, vm0, $0xb8;
	[tilespmem:$0x10100] =	vst v63  }
0x9f: {  	v3 =	vld [tilespmem:$0xA0];
	_ =	sdelay $0x4  }
0xa0: {  	v62 =	vshll.u32 v3, $0x3  }
0xa1: {  	v3 =	vand.u32 $0x7, v3;
	v4 =	vand.u32 $0xFFFFFFC0, v62  }
0xa2: {  	v3 =	vor.u32 v3, v4  }
0xa3: {  	v4 =	vperm.xlane v3, v0;
	_ =	sdelay $0x1  }
0xa4: {  	v4 =	vadd.s32 v1, v4;
	_ =	sdelay $0x4  }
0xa5: {  	[hbm4b:s3+s2] =	stream.indirect_vreg.scatter [tilespmem:s12], [sflag:$0x2], $0x80, v4, vm0, $0xb8;
	[tilespmem:$0x10100] =	vst v63  }
0xa6: {  	v3 =	vperm.xlane v3, v2  }
0xa7: {  	[hbm4b:s4+s2] =	stream.indirect_vreg.scatter [tilespmem:s13], [sflag:$0x2], $0x80, v4, vm0, $0xb8;
	[tilespmem:$0x10100] =	vst v63  }
0xa8: {  	v3 =	vadd.s32 v1, v3  }
0xa9: {  	[hbm4b:s5+s2] =	stream.indirect_vreg.scatter [tilespmem:s14], [sflag:$0x2], $0x80, v4, vm0, $0xb8;
	[tilespmem:$0x10100] =	vst v63  }
0xaa: {  	_ = 	snop  }
0xab: {  	[hbm4b:s6+s2] =	stream.indirect_vreg.scatter [tilespmem:s15], [sflag:$0x2], $0x80, v4, vm0, $0xb8;
	[tilespmem:$0x10100] =	vst v63  }
0xac: {  	_ = 	snop  }
0xad: {  	[hbm4b:s3+s2] =	stream.indirect_vreg.scatter [tilespmem:s16], [sflag:$0x2], $0x80, v3, vm0, $0xb8;
	[tilespmem:$0x10100] =	vst v63  }
0xae: {  	_ = 	snop  }
0xaf: {  	[hbm4b:s4+s2] =	stream.indirect_vreg.scatter [tilespmem:s17], [sflag:$0x2], $0x80, v3, vm0, $0xb8;
	[tilespmem:$0x10100] =	vst v63  }
0xb0: {  	_ = 	snop  }
0xb1: {  	[hbm4b:s5+s2] =	stream.indirect_vreg.scatter [tilespmem:s9], [sflag:$0x2], $0x80, v3, vm0, $0xb8;
	[tilespmem:$0x10100] =	vst v63  }
0xb2: {  	_ = 	snop  }
0xb3: {  	[hbm4b:s6+s2] =	stream.indirect_vreg.scatter [tilespmem:s19], [sflag:$0x2], $0x80, v3, vm0, $0xb8;
	[tilespmem:$0x10100] =	vst v63  }
0xb4: {  	v3 =	vld [tilespmem:$0xB0];
	_ =	sdelay $0x4  }
0xb5: {  	v63 =	vshll.u32 v3, $0x3  }
0xb6: {  	v3 =	vand.u32 $0x7, v3;
	v4 =	vand.u32 $0xFFFFFFC0, v63  }
0xb7: {  	v3 =	vor.u32 v3, v4  }
0xb8: {  	v4 =	vperm.xlane v3, v0;
	_ =	sdelay $0x1  }
0xb9: {  	v4 =	vadd.s32 v1, v4;
	_ =	sdelay $0x3  }
0xba: {  	s21 =	simm.s32 $0xC100  }
0xbb: {  	[hbm4b:s3+s2] =	stream.indirect_vreg.scatter [tilespmem:s21], [sflag:$0x2], $0x80, v4, vm0, $0xb8;
	[tilespmem:$0x10100] =	vst v63  }
0xbc: {  	s20 =	simm.s32 $0xC900;
	v3 =	vperm.xlane v3, v2  }
0xbd: {  	[hbm4b:s4+s2] =	stream.indirect_vreg.scatter [tilespmem:s20], [sflag:$0x2], $0x80, v4, vm0, $0xb8;
	[tilespmem:$0x10100] =	vst v63  }
0xbe: {  	v3 =	vadd.s32 v1, v3;
	s21 =	simm.s32 $0xD100  }
0xbf: {  	[hbm4b:s5+s2] =	stream.indirect_vreg.scatter [tilespmem:s21], [sflag:$0x2], $0x80, v4, vm0, $0xb8;
	[tilespmem:$0x10100] =	vst v63  }
0xc0: {  	s20 =	simm.s32 $0xD900  }
0xc1: {  	[hbm4b:s6+s2] =	stream.indirect_vreg.scatter [tilespmem:s20], [sflag:$0x2], $0x80, v4, vm0, $0xb8;
	[tilespmem:$0x10100] =	vst v63  }
0xc2: {  	s21 =	simm.s32 $0xE100  }
0xc3: {  	[hbm4b:s3+s2] =	stream.indirect_vreg.scatter [tilespmem:s21], [sflag:$0x2], $0x80, v3, vm0, $0xb8;
	[tilespmem:$0x10100] =	vst v63  }
0xc4: {  	s20 =	simm.s32 $0xE900  }
0xc5: {  	[hbm4b:s4+s2] =	stream.indirect_vreg.scatter [tilespmem:s20], [sflag:$0x2], $0x80, v3, vm0, $0xb8;
	[tilespmem:$0x10100] =	vst v63  }
0xc6: {  	s21 =	simm.s32 $0xF100  }
0xc7: {  	[hbm4b:s5+s2] =	stream.indirect_vreg.scatter [tilespmem:s21], [sflag:$0x2], $0x80, v3, vm0, $0xb8;
	[tilespmem:$0x10100] =	vst v63  }
0xc8: {  	s20 =	simm.s32 $0x1  }
0xc9: {  	[hbm4b:s6+s2] =	stream.indirect_vreg.scatter [tilespmem:s0], [sflag:$0x2], $0x80, v3, vm0, $0xb8;
	[tilespmem:$0x10100] =	vst v63  }
0xca: {  	p0 =	sne.s32 s7, $0x1;
	_ =	swait.ge [sflag:s20], $0x10000  }
.Ltmp0:
0xcb: {  	[sflag:s20] =	ssyncset.done $0x0;
	(pc) =	sbr.rel @p0 .LBB2_1-.Ltmp0, $4  }
0xcc: {  	s21 =	simm.s32 $0x2;
	[sflag:s20] =	ssyncadd.s32 $0xFFFF0000  }
0xcd: {  	_ =	swait.ge [sflag:s21], $0x10000  }
0xce: {  	[sflag:s21] =	ssyncset.done $0x0  }
0xcf: {  	s7 =	sadd.s32 $0xFFFFFFFF, s7;
	[sflag:s21] =	ssyncadd.s32 $0xFFFF0000  }
0xd0: {  	_ =	sfence.sel $0x180000  }
0xd1: {  	[bflag:$0x0] =	sbarrier.arrive $0xFFFF  }
0xd2: {  	_ =	strace $0x90000047  }
0xd3: {  	s0 =	stileid.u32;
	[bflag:$0x2] =	sbarrier.arrive $0xFFFF  }
0xd4: {  	p0 =	sne.s32 s0, $0x0;
	s0 =	rddreg [dreg:$0x2]  }
0xd5: {  	s0 =	sadd.s32 @!p0 $0x100000, s0  }
0xd6: {  	[sflag:s0] =	ssyncadd.tile.s32 @!p0 $0x1;
	_ =	shalt  }
.Lfunc_end2:
_tile_overlayer_lowered:
.L_overlay_start_2:
0xd7: {  	(tag) =	ssettag $0x2  }
0xd8: {  	s0 =	rddreg [dreg:$0x0];
	s2 =	stileid.u32  }
0xd9: {  	s1 =	rddreg [dreg:$0x1];
	p0 =	sne.s32 s2, $0x0  }
0xda: {  	s3 =	rddreg [dreg:$0x2];
	[bflag:$0x3] =	sbarrier.arrive $0xFFFF;
	s2 =	simm.s32 @!p0 $0x1C03  }
0xdb: {  	[timem:s3], [sflag:s2] =	dma.local @!p0 [hbm:s0], s1  }
0xdc: {  	s0 =	simm.s32 @!p0 $0x3  }
0xdd: {  	_ =	swait.ge @!p0 [sflag:s0], s1  }
0xde: {  	s1 =	ssub.s32 @!p0 $0x0, s1;
	[sflag:s0] =	ssyncset.done @!p0 $0x0  }
0xdf: {  	[sflag:s0] =	ssyncadd.s32 @!p0 s1  }
0xe0: {  	[bflag:$0x3] =	sbarrier.arrive $0xFFFF  }
0xe1: {  	_ =	shalt  }

</sc_bundles>
